<compile_context>
chip_gen: v7x
topology: tpu7x:2x2x1
jax: 0.10.2.dev20260603
libtpu: 0.0.44.dev20260713+nightly
codegen_flags: <defaults>
</compile_context>

<pallas_src>
import functools

import jax
import jax.numpy as jnp
from jax import lax
from jax.experimental import pallas as pl
from jax.experimental.pallas import tpu as pltpu
from jax.experimental.pallas import tpu_sc as plsc

B = 16
T = 16384
D = 128
NR = 5
NR_PAD = 8
IDX_CHUNK = 128
N_CHUNKS = 2
TC_CHUNK = T // N_CHUNKS
TBLK = 8192


def _sc_gather(chunk, flat_users, nodes_v, embed_u_w, embed_i_w):
    info = plsc.get_sparse_core_info()
    nc, ns = info.num_cores, info.num_subcores
    nw = nc * ns
    rows_per_w = TC_CHUNK // nw
    n_idx_chunks = max(rows_per_w // IDX_CHUNK, 1)
    chunk_base = chunk * TC_CHUNK
    with_qj = chunk == 0

    mesh = plsc.VectorSubcoreMesh(core_axis_name="c", subcore_axis_name="s")

    out_type = [jax.ShapeDtypeStruct((TC_CHUNK, D), jnp.float32)]
    scratch = [
        pltpu.VMEM((rows_per_w,), jnp.int32),
        pltpu.VMEM((rows_per_w, D), jnp.float32),
        pltpu.SemaphoreType.DMA,
        pltpu.SemaphoreType.DMA,
    ]
    if with_qj:
        out_type.append(jax.ShapeDtypeStruct((B, D), jnp.float32))
        scratch += [
            pltpu.VMEM((B,), jnp.int32),
            pltpu.VMEM((B, D), jnp.float32),
            pltpu.SemaphoreType.DMA,
        ]

    @functools.partial(pl.kernel, mesh=mesh, out_type=out_type,
                       scratch_types=scratch)
    def gather_kernel(*refs):
        if with_qj:
            (users_hbm, nodes_hbm, tab_u, tab_i, out_pt, out_qj,
             idx_v, rows_v, sem, wsem, nidx_v, qrows_v, qsem) = refs
        else:
            users_hbm, tab_u, out_pt, idx_v, rows_v, sem, wsem = refs
        wid = lax.axis_index("s") * nc + lax.axis_index("c")
        base = wid * rows_per_w
        pltpu.sync_copy(users_hbm.at[pl.ds(chunk_base + base, rows_per_w)], idx_v)
        gathers = []
        for c in range(n_idx_chunks):
            gathers.append(pltpu.async_copy(
                tab_u.at[idx_v.at[pl.ds(c * IDX_CHUNK, IDX_CHUNK)]],
                rows_v.at[pl.ds(c * IDX_CHUNK, IDX_CHUNK)], sem))
        writes = []
        for c in range(n_idx_chunks):
            gathers[c].wait()
            writes.append(pltpu.async_copy(
                rows_v.at[pl.ds(c * IDX_CHUNK, IDX_CHUNK)],
                out_pt.at[pl.ds(base + c * IDX_CHUNK, IDX_CHUNK)], wsem))
        for w in writes:
            w.wait()

        if with_qj:
            @pl.when(wid == 0)
            def _():
                pltpu.sync_copy(nodes_hbm, nidx_v)
                pltpu.async_copy(tab_i.at[nidx_v], qrows_v, qsem).wait()
                pltpu.sync_copy(qrows_v, out_qj)

    if with_qj:
        return gather_kernel(flat_users, nodes_v, embed_u_w, embed_i_w)
    return gather_kernel(flat_users, embed_u_w)[0]


_NT = (((1,), (1,)), ((), ()))
_TN = (((0,), (0,)), ((), ()))
_BF = jnp.bfloat16


def _nt_bf16(x, w):
    return lax.dot_general(x.astype(_BF), w.astype(_BF), _NT,
                           preferred_element_type=jnp.float32)


def _tc_body(rat_ref, seg_ref, pt_ref, qj_ref, er_ref, g1_ref, g1b_ref,
             g2_ref, g2b_ref, a1_ref, a1b_ref, a2_ref, a2b_ref, a3_ref,
             *rest, nblk, first, last):
    n_outs = 1 if last else 3
    if first:
        in_state = ()
    else:
        in_state = rest[:3]
        rest = rest[3:]
    outs = rest[:n_outs]
    m_ref, d_ref, z_ref, rtab_ref, stab_ref = rest[n_outs:]

    i = pl.program_id(0)

    @pl.when(i == 0)
    def _init():
        if first:
            m_ref[...] = jnp.full((B, 1), -1e30, jnp.float32)
            d_ref[...] = jnp.zeros((B, 1), jnp.float32)
            z_ref[...] = jnp.zeros((B, D), jnp.float32)
        else:
            m_in, d_in, z_in = in_state
            m_ref[...] = m_in[...]
            d_ref[...] = d_in[...]
            z_ref[...] = z_in[...]
        rtab_ref[:NR, :] = lax.dot_general(er_ref[...], g1_ref[:, D:], _NT)
        rtab_ref[NR:, :] = jnp.zeros((NR_PAD - NR, D), jnp.float32)
        stab_ref[...] = lax.dot_general(qj_ref[...], a1_ref[:, D:], _NT)

    pt = pt_ref[...]
    rat_row = rat_ref[...].reshape(1, TBLK)
    seg_row = seg_ref[...].reshape(1, TBLK)

    rat_ohT = (lax.broadcasted_iota(jnp.int32, (NR_PAD, TBLK), 0)
               == rat_row).astype(jnp.float32)
    seg_ohT = lax.broadcasted_iota(jnp.int32, (B, TBLK), 0) == seg_row

    er_c = lax.dot_general(rat_ohT, rtab_ref[...], _TN)
    h = jnp.maximum(_nt_bf16(pt, g1_ref[:, :D]) + er_c + g1b_ref[...], 0.0)
    fjt = jnp.maximum(_nt_bf16(h, g2_ref[...]) + g2b_ref[...], 0.0)
    seg_c = lax.dot_general(seg_ohT.astype(jnp.float32), stab_ref[...], _TN)
    a = jnp.maximum(_nt_bf16(fjt, a1_ref[:, :D]) + seg_c + a1b_ref[...], 0.0)
    a = jnp.maximum(_nt_bf16(a, a2_ref[...]) + a2b_ref[...], 0.0)
    s_row = lax.dot_general(a3_ref[...], a, _NT)

    neg = jnp.float32(-1e30)
    seg_f = seg_ohT.astype(jnp.float32)
    masked = jnp.where(seg_ohT, s_row, neg)
    blk_m = jnp.max(masked, axis=1, keepdims=True)
    m_old = m_ref[...]
    m_new = jnp.maximum(m_old, blk_m)
    scale = jnp.exp(m_old - m_new)
    m_tok = lax.dot_general(m_new, seg_f, _TN)
    e_row = jnp.exp(s_row - m_tok)
    e_t = seg_f * e_row
    m_ref[...] = m_new
    d_ref[...] = d_ref[...] * scale + jnp.sum(e_t, axis=1, keepdims=True)
    z_ref[...] = (z_ref[...] * scale
                  + lax.dot_general(e_t, fjt, (((1,), (0,)), ((), ()))))

    @pl.when(i == nblk - 1)
    def _finish():
        if last:
            out_ref, = outs
            dd = d_ref[...]
            out_ref[...] = jnp.where(dd > 0, z_ref[...] / dd, 0.0)
        else:
            om_ref, od_ref, oz_ref = outs
            om_ref[...] = m_ref[...]
            od_ref[...] = d_ref[...]
            oz_ref[...] = z_ref[...]


def _tc_chunk(chunk, pt, qj, flat_ratings, segment_ids, embed_r_w, weights,
              state, last):
    (g1_w, g1_b, g2_w, g2_b, a1_w, a1_b, a2_w, a2_b, a3_w) = weights
    nblk = TC_CHUNK // TBLK
    blk0 = chunk * nblk
    first = state is None

    full = lambda shape: pl.BlockSpec(shape, lambda i: tuple(0 for _ in shape))

    in_specs = [
        pl.BlockSpec((TBLK,), lambda i: (blk0 + i,)),
        pl.BlockSpec((TBLK,), lambda i: (blk0 + i,)),
        pl.BlockSpec((TBLK, D), lambda i: (i, 0)),
        full((B, D)),
        full((NR, D)),
        full((D, 2 * D)),
        full((D,)),
        full((D, D)),
        full((D,)),
        full((D, 2 * D)),
        full((D,)),
        full((D, D)),
        full((D,)),
        full((1, D)),
    ]
    args = [flat_ratings, segment_ids, pt, qj, embed_r_w, g1_w, g1_b, g2_w,
            g2_b, a1_w, a1_b, a2_w, a2_b, a3_w]
    if not first:
        in_specs += [full((B, 1)), full((B, 1)), full((B, D))]
        args += list(state)

    if last:
        out_shape = jax.ShapeDtypeStruct((B, D), jnp.float32)
        out_specs = pl.BlockSpec((B, D), lambda i: (0, 0))
    else:
        out_shape = [jax.ShapeDtypeStruct((B, 1), jnp.float32),
                     jax.ShapeDtypeStruct((B, 1), jnp.float32),
                     jax.ShapeDtypeStruct((B, D), jnp.float32)]
        out_specs = [pl.BlockSpec((B, 1), lambda i: (0, 0)),
                     pl.BlockSpec((B, 1), lambda i: (0, 0)),
                     pl.BlockSpec((B, D), lambda i: (0, 0))]

    body = functools.partial(_tc_body, nblk=nblk, first=first, last=last)
    return pl.pallas_call(
        body,
        grid=(nblk,),
        in_specs=in_specs,
        out_specs=out_specs,
        out_shape=out_shape,
        scratch_shapes=[
            pltpu.VMEM((B, 1), jnp.float32),
            pltpu.VMEM((B, 1), jnp.float32),
            pltpu.VMEM((B, D), jnp.float32),
            pltpu.VMEM((NR_PAD, D), jnp.float32),
            pltpu.VMEM((B, D), jnp.float32),
        ],
    )(*args)


def kernel(nodes_v, flat_users, flat_ratings, segment_ids, embed_u_w,
           embed_i_w, embed_r_w, g1_w, g1_b, g2_w, g2_b, a1_w, a1_b,
           a2_w, a2_b, a3_w, a3_b):
    weights = (g1_w, g1_b, g2_w, g2_b, a1_w, a1_b, a2_w, a2_b, a3_w)

    pt0, qj = _sc_gather(0, flat_users, nodes_v, embed_u_w, embed_i_w)
    pts = [pt0] + [_sc_gather(c, flat_users, nodes_v, embed_u_w, embed_i_w)
                   for c in range(1, N_CHUNKS)]

    state = None
    for c in range(N_CHUNKS):
        out = _tc_chunk(c, pts[c], qj, flat_ratings, segment_ids, embed_r_w,
                        weights, state, last=(c == N_CHUNKS - 1))
        state = out
    return out

# --- scband reference (transcript-rebuilt; emitter-appended) ---
"""Pipeline reference for scband-item-modeling-11304353923459 (READ-ONLY COPY).

The authoritative reference and input builder live on the scoring server;
editing this copy changes nothing except your own understanding.
"""

import jax, jax.numpy as jnp
import numpy as np

B = 16
T = 16384
D = 128
NU = 100000
NI = 100000
NR = 5


def linear(x, w, b):
    return x @ w.T + b


def setup_inputs(seed: int = 0) -> dict:
    key = jax.random.key(seed)
    ks = jax.random.split(key, 20)
    nodes_v = jax.random.randint(ks[0], (B,), 0, NI, dtype=jnp.int32)
    flat_users = jax.random.randint(ks[1], (T,), 0, NU, dtype=jnp.int32)
    flat_ratings = jax.random.randint(ks[2], (T,), 0, NR, dtype=jnp.int32)
    segment_ids = jnp.sort(jax.random.randint(ks[3], (T,), 0, B, dtype=jnp.int32))
    embed_u_w = jax.random.normal(ks[4], (NU, D), dtype=jnp.float32) * 0.05
    embed_i_w = jax.random.normal(ks[5], (NI, D), dtype=jnp.float32) * 0.05
    embed_r_w = jax.random.normal(ks[6], (NR, D), dtype=jnp.float32) * 0.05
    g1_w = jax.random.normal(ks[7], (D, 2 * D), dtype=jnp.float32) * 0.05
    g1_b = jnp.zeros((D,), dtype=jnp.float32)
    g2_w = jax.random.normal(ks[8], (D, D), dtype=jnp.float32) * 0.05
    g2_b = jnp.zeros((D,), dtype=jnp.float32)
    a1_w = jax.random.normal(ks[9], (D, 2 * D), dtype=jnp.float32) * 0.05
    a1_b = jnp.zeros((D,), dtype=jnp.float32)
    a2_w = jax.random.normal(ks[10], (D, D), dtype=jnp.float32) * 0.05
    a2_b = jnp.zeros((D,), dtype=jnp.float32)
    a3_w = jax.random.normal(ks[11], (1, D), dtype=jnp.float32) * 0.05
    a3_b = jnp.zeros((1,), dtype=jnp.float32)
    return dict(nodes_v=nodes_v, flat_users=flat_users, flat_ratings=flat_ratings,
                segment_ids=segment_ids, embed_u_w=embed_u_w, embed_i_w=embed_i_w,
                embed_r_w=embed_r_w, g1_w=g1_w, g1_b=g1_b, g2_w=g2_w, g2_b=g2_b,
                a1_w=a1_w, a1_b=a1_b, a2_w=a2_w, a2_b=a2_b, a3_w=a3_w, a3_b=a3_b)


def reference(nodes_v, flat_users, flat_ratings, segment_ids, embed_u_w, embed_i_w,
              embed_r_w, g1_w, g1_b, g2_w, g2_b, a1_w, a1_b, a2_w, a2_b, a3_w, a3_b):
    # per-token embeddings (pt = user embed of history neighbor, er = rating embed)
    pt = jnp.take(embed_u_w, flat_users, axis=0)          # [T, D]
    er = jnp.take(embed_r_w, flat_ratings, axis=0)        # [T, D]
    # fjt = gu(cat(pt, er)) : MLP(2D -> D) with two relu layers
    h = jax.nn.relu(linear(jnp.concatenate([pt, er], axis=-1), g1_w, g1_b))
    fjt = jax.nn.relu(linear(h, g2_w, g2_b))              # [T, D]
    # qj = item embedding, broadcast per token via segment_ids (u_rep.repeat)
    qj = jnp.take(embed_i_w, nodes_v, axis=0)             # [B, D]
    pi = jnp.take(qj, segment_ids, axis=0)                # [T, D]
    # attention MLP (dropout is identity in eval mode)
    a = jax.nn.relu(linear(jnp.concatenate([fjt, pi], axis=-1), a1_w, a1_b))
    a = jax.nn.relu(linear(a, a2_w, a2_b))
    s = linear(a, a3_w, a3_b)[:, 0]                       # [T]
    # per-segment softmax (softmax over dim=0 within each history list)
    m = jax.ops.segment_max(s, segment_ids, num_segments=B)
    e = jnp.exp(s - jnp.take(m, segment_ids, axis=0))
    denom = jax.ops.segment_sum(e, segment_ids, num_segments=B)
    alpha = e / jnp.take(denom, segment_ids, axis=0)      # [T]
    # zj = fjt^T @ mu_jt per segment -> weighted sum
    z = jax.ops.segment_sum(fjt * alpha[:, None], segment_ids, num_segments=B)
    return z

if __name__ == "__main__":
    import jax
    _d = setup_inputs()
    print(jax.jit(kernel)(*tuple(_d.values())))

</pallas_src>

<mosaic_0001>
#map = affine_map<(d0, d1) -> (0)>
#map1 = affine_map<(d0, d1) -> (0, 0)>
module attributes {stable_mosaic.version = 14 : i64} {
  func.func @gather_kernel(%arg0: i32, %arg1: i32, %arg2: memref<16384xi32, #tpu.memory_space<hbm>>, %arg3: memref<16xi32, #tpu.memory_space<hbm>>, %arg4: memref<100000x128xf32, #tpu.memory_space<hbm>>, %arg5: memref<100000x128xf32, #tpu.memory_space<hbm>>, %arg6: memref<8192x128xf32, #tpu.memory_space<hbm>>, %arg7: memref<16x128xf32, #tpu.memory_space<hbm>>, %arg8: memref<256xi32, #tpu.memory_space<vmem>>, %arg9: memref<256x128xf32, #tpu.memory_space<vmem>>, %arg10: memref<!tpu.dma_semaphore, #tpu.memory_space<semaphore_mem>>, %arg11: memref<!tpu.dma_semaphore, #tpu.memory_space<semaphore_mem>>, %arg12: memref<16xi32, #tpu.memory_space<vmem>>, %arg13: memref<16x128xf32, #tpu.memory_space<vmem>>, %arg14: memref<!tpu.dma_semaphore, #tpu.memory_space<semaphore_mem>>) attributes {dimension_semantics = [#tpu.dimension_semantics<core_parallel>, #tpu.dimension_semantics<subcore_parallel>], iteration_bounds = array<i64: 2, 16>, scalar_prefetch = 0 : i64, scratch_operands = 7 : i64, tpu.core_type = #tpu.core_type<sc_vector_subcore>, window_params = [{transform_indices = #map}, {transform_indices = #map}, {transform_indices = #map1}, {transform_indices = #map1}, {transform_indices = #map1}, {transform_indices = #map1}]} {
    %mul3A = arith.constant 2 : i32
    %mul3A_0 = arith.muli %arg1, %mul3A : i32
    %add3A = arith.addi %mul3A_0, %arg0 : i32
    %mul3A_1 = arith.constant 256 : i32
    %mul3A_2 = arith.muli %add3A, %mul3A_1 : i32
    %add3A_3 = arith.constant 0 : i32
    %add3A_4 = arith.addi %add3A_3, %mul3A_2 : i32
    "tpu.region"() ({
      %run_scoped3A = tpu.sem_alloc : memref<!tpu.dma_semaphore, #tpu.memory_space<semaphore_mem>>
      %dma_start3A_81 = tpu.memref_slice %arg2[%add3A_4] : memref<16384xi32, #tpu.memory_space<hbm>> -> memref<256xi32, #tpu.memory_space<hbm>>
      %dma_start3A_82 = tpu.memref_slice %arg2[%add3A_4] : memref<16384xi32, #tpu.memory_space<hbm>> -> memref<256xi32, #tpu.memory_space<hbm>>
      tpu.enqueue_dma source(%dma_start3A_82 : memref<256xi32, #tpu.memory_space<hbm>>) target(%arg8 : memref<256xi32, #tpu.memory_space<vmem>>) target_semaphore(%run_scoped3A : memref<!tpu.dma_semaphore, #tpu.memory_space<semaphore_mem>>)
      %dma_wait3A_83 = tpu.memref_slice %arg2[%add3A_4] : memref<16384xi32, #tpu.memory_space<hbm>> -> memref<256xi32, #tpu.memory_space<hbm>>
      %dma_wait3A_84 = tpu.memref_slice %arg2[%add3A_4] : memref<16384xi32, #tpu.memory_space<hbm>> -> memref<256xi32, #tpu.memory_space<hbm>>
      tpu.wait_dma2 semaphore(%run_scoped3A : memref<!tpu.dma_semaphore, #tpu.memory_space<semaphore_mem>>) src(%dma_wait3A_84 : memref<256xi32, #tpu.memory_space<hbm>>) dst(%arg8 : memref<256xi32, #tpu.memory_space<vmem>>)
      tpu.yield
    }) : () -> ()
    %dma_start3A = arith.constant 0 : i32
    %dma_start3A_5 = arith.constant 0 : i32
    %dma_start3A_6 = tpu.memref_slice %arg9[%dma_start3A, %dma_start3A_5] : memref<256x128xf32, #tpu.memory_space<vmem>> -> memref<128x128xf32, #tpu.memory_space<vmem>>
    %dma_start3A_7 = arith.constant 0 : i32
    %dma_start3A_8 = tpu.memref_slice %arg8[%dma_start3A_7] : memref<256xi32, #tpu.memory_space<vmem>> -> memref<128xi32, #tpu.memory_space<vmem>>
    %dma_start3A_9 = arith.constant 0 : i32
    %dma_start3A_10 = arith.constant 0 : i32
    %dma_start3A_11 = tpu.memref_slice %arg4[%dma_start3A_9, %dma_start3A_10] : memref<100000x128xf32, #tpu.memory_space<hbm>> -> memref<100000x128xf32, #tpu.memory_space<hbm>>
    tpu.enqueue_indirect_dma source(%dma_start3A_11 : memref<100000x128xf32, #tpu.memory_space<hbm>>) target(%dma_start3A_6 : memref<128x128xf32, #tpu.memory_space<vmem>>) offsets(%dma_start3A_8 : memref<128xi32, #tpu.memory_space<vmem>>) semaphore(%arg10 : memref<!tpu.dma_semaphore, #tpu.memory_space<semaphore_mem>>)
    %dma_start3A_12 = arith.constant 128 : i32
    %dma_start3A_13 = arith.constant 0 : i32
    %dma_start3A_14 = tpu.memref_slice %arg9[%dma_start3A_12, %dma_start3A_13] : memref<256x128xf32, #tpu.memory_space<vmem>> -> memref<128x128xf32, #tpu.memory_space<vmem>>
    %dma_start3A_15 = arith.constant 128 : i32
    %dma_start3A_16 = tpu.memref_slice %arg8[%dma_start3A_15] : memref<256xi32, #tpu.memory_space<vmem>> -> memref<128xi32, #tpu.memory_space<vmem>>
    %dma_start3A_17 = arith.constant 0 : i32
    %dma_start3A_18 = arith.constant 0 : i32
    %dma_start3A_19 = tpu.memref_slice %arg4[%dma_start3A_17, %dma_start3A_18] : memref<100000x128xf32, #tpu.memory_space<hbm>> -> memref<100000x128xf32, #tpu.memory_space<hbm>>
    tpu.enqueue_indirect_dma source(%dma_start3A_19 : memref<100000x128xf32, #tpu.memory_space<hbm>>) target(%dma_start3A_14 : memref<128x128xf32, #tpu.memory_space<vmem>>) offsets(%dma_start3A_16 : memref<128xi32, #tpu.memory_space<vmem>>) semaphore(%arg10 : memref<!tpu.dma_semaphore, #tpu.memory_space<semaphore_mem>>)
    %dma_wait3A = arith.constant 0 : i32
    %dma_wait3A_20 = arith.constant 0 : i32
    %dma_wait3A_21 = tpu.memref_slice %arg9[%dma_wait3A, %dma_wait3A_20] : memref<256x128xf32, #tpu.memory_space<vmem>> -> memref<128x128xf32, #tpu.memory_space<vmem>>
    %dma_wait3A_22 = arith.constant 0 : i32
    %dma_wait3A_23 = tpu.memref_slice %arg8[%dma_wait3A_22] : memref<256xi32, #tpu.memory_space<vmem>> -> memref<128xi32, #tpu.memory_space<vmem>>
    %dma_wait3A_24 = arith.constant 0 : i32
    %dma_wait3A_25 = arith.constant 0 : i32
    %dma_wait3A_26 = tpu.memref_slice %arg4[%dma_wait3A_24, %dma_wait3A_25] : memref<100000x128xf32, #tpu.memory_space<hbm>> -> memref<100000x128xf32, #tpu.memory_space<hbm>>
    tpu.wait_indirect_dma semaphore(%arg10 : memref<!tpu.dma_semaphore, #tpu.memory_space<semaphore_mem>>) src(%dma_wait3A_26 : memref<100000x128xf32, #tpu.memory_space<hbm>>) dst(%dma_wait3A_21 : memref<128x128xf32, #tpu.memory_space<vmem>>)
    %add3A_27 = arith.constant 0 : i32
    %add3A_28 = arith.addi %mul3A_2, %add3A_27 : i32
    %dma_start3A_29 = arith.constant 0 : i32
    %dma_start3A_30 = arith.constant 0 : i32
    %dma_start3A_31 = tpu.memref_slice %arg9[%dma_start3A_29, %dma_start3A_30] : memref<256x128xf32, #tpu.memory_space<vmem>> -> memref<128x128xf32, #tpu.memory_space<vmem>>
    %dma_start3A_32 = arith.constant 0 : i32
    %dma_start3A_33 = tpu.memref_slice %arg6[%add3A_28, %dma_start3A_32] : memref<8192x128xf32, #tpu.memory_space<hbm>> -> memref<128x128xf32, #tpu.memory_space<hbm>>
    %dma_start3A_34 = arith.constant 0 : i32
    %dma_start3A_35 = tpu.memref_slice %arg6[%add3A_28, %dma_start3A_34] : memref<8192x128xf32, #tpu.memory_space<hbm>> -> memref<128x128xf32, #tpu.memory_space<hbm>>
    %dma_start3A_36 = arith.constant 0 : i32
    %dma_start3A_37 = arith.constant 0 : i32
    %dma_start3A_38 = tpu.memref_slice %arg9[%dma_start3A_36, %dma_start3A_37] : memref<256x128xf32, #tpu.memory_space<vmem>> -> memref<128x128xf32, #tpu.memory_space<vmem>>
    tpu.enqueue_dma source(%dma_start3A_38 : memref<128x128xf32, #tpu.memory_space<vmem>>) target(%dma_start3A_35 : memref<128x128xf32, #tpu.memory_space<hbm>>) target_semaphore(%arg11 : memref<!tpu.dma_semaphore, #tpu.memory_space<semaphore_mem>>)
    %dma_wait3A_39 = arith.constant 128 : i32
    %dma_wait3A_40 = arith.constant 0 : i32
    %dma_wait3A_41 = tpu.memref_slice %arg9[%dma_wait3A_39, %dma_wait3A_40] : memref<256x128xf32, #tpu.memory_space<vmem>> -> memref<128x128xf32, #tpu.memory_space<vmem>>
    %dma_wait3A_42 = arith.constant 128 : i32
    %dma_wait3A_43 = tpu.memref_slice %arg8[%dma_wait3A_42] : memref<256xi32, #tpu.memory_space<vmem>> -> memref<128xi32, #tpu.memory_space<vmem>>
    %dma_wait3A_44 = arith.constant 0 : i32
    %dma_wait3A_45 = arith.constant 0 : i32
    %dma_wait3A_46 = tpu.memref_slice %arg4[%dma_wait3A_44, %dma_wait3A_45] : memref<100000x128xf32, #tpu.memory_space<hbm>> -> memref<100000x128xf32, #tpu.memory_space<hbm>>
    tpu.wait_indirect_dma semaphore(%arg10 : memref<!tpu.dma_semaphore, #tpu.memory_space<semaphore_mem>>) src(%dma_wait3A_46 : memref<100000x128xf32, #tpu.memory_space<hbm>>) dst(%dma_wait3A_41 : memref<128x128xf32, #tpu.memory_space<vmem>>)
    %add3A_47 = arith.constant 128 : i32
    %add3A_48 = arith.addi %mul3A_2, %add3A_47 : i32
    %dma_start3A_49 = arith.constant 128 : i32
    %dma_start3A_50 = arith.constant 0 : i32
    %dma_start3A_51 = tpu.memref_slice %arg9[%dma_start3A_49, %dma_start3A_50] : memref<256x128xf32, #tpu.memory_space<vmem>> -> memref<128x128xf32, #tpu.memory_space<vmem>>
    %dma_start3A_52 = arith.constant 0 : i32
    %dma_start3A_53 = tpu.memref_slice %arg6[%add3A_48, %dma_start3A_52] : memref<8192x128xf32, #tpu.memory_space<hbm>> -> memref<128x128xf32, #tpu.memory_space<hbm>>
    %dma_start3A_54 = arith.constant 0 : i32
    %dma_start3A_55 = tpu.memref_slice %arg6[%add3A_48, %dma_start3A_54] : memref<8192x128xf32, #tpu.memory_space<hbm>> -> memref<128x128xf32, #tpu.memory_space<hbm>>
    %dma_start3A_56 = arith.constant 128 : i32
    %dma_start3A_57 = arith.constant 0 : i32
    %dma_start3A_58 = tpu.memref_slice %arg9[%dma_start3A_56, %dma_start3A_57] : memref<256x128xf32, #tpu.memory_space<vmem>> -> memref<128x128xf32, #tpu.memory_space<vmem>>
    tpu.enqueue_dma source(%dma_start3A_58 : memref<128x128xf32, #tpu.memory_space<vmem>>) target(%dma_start3A_55 : memref<128x128xf32, #tpu.memory_space<hbm>>) target_semaphore(%arg11 : memref<!tpu.dma_semaphore, #tpu.memory_space<semaphore_mem>>)
    %dma_wait3A_59 = arith.constant 0 : i32
    %dma_wait3A_60 = arith.constant 0 : i32
    %dma_wait3A_61 = tpu.memref_slice %arg9[%dma_wait3A_59, %dma_wait3A_60] : memref<256x128xf32, #tpu.memory_space<vmem>> -> memref<128x128xf32, #tpu.memory_space<vmem>>
    %dma_wait3A_62 = arith.constant 0 : i32
    %dma_wait3A_63 = tpu.memref_slice %arg6[%add3A_28, %dma_wait3A_62] : memref<8192x128xf32, #tpu.memory_space<hbm>> -> memref<128x128xf32, #tpu.memory_space<hbm>>
    %dma_wait3A_64 = arith.constant 0 : i32
    %dma_wait3A_65 = tpu.memref_slice %arg6[%add3A_28, %dma_wait3A_64] : memref<8192x128xf32, #tpu.memory_space<hbm>> -> memref<128x128xf32, #tpu.memory_space<hbm>>
    %dma_wait3A_66 = arith.constant 0 : i32
    %dma_wait3A_67 = arith.constant 0 : i32
    %dma_wait3A_68 = tpu.memref_slice %arg9[%dma_wait3A_66, %dma_wait3A_67] : memref<256x128xf32, #tpu.memory_space<vmem>> -> memref<128x128xf32, #tpu.memory_space<vmem>>
    tpu.wait_dma2 semaphore(%arg11 : memref<!tpu.dma_semaphore, #tpu.memory_space<semaphore_mem>>) src(%dma_wait3A_68 : memref<128x128xf32, #tpu.memory_space<vmem>>) dst(%dma_wait3A_65 : memref<128x128xf32, #tpu.memory_space<hbm>>)
    %dma_wait3A_69 = arith.constant 128 : i32
    %dma_wait3A_70 = arith.constant 0 : i32
    %dma_wait3A_71 = tpu.memref_slice %arg9[%dma_wait3A_69, %dma_wait3A_70] : memref<256x128xf32, #tpu.memory_space<vmem>> -> memref<128x128xf32, #tpu.memory_space<vmem>>
    %dma_wait3A_72 = arith.constant 0 : i32
    %dma_wait3A_73 = tpu.memref_slice %arg6[%add3A_48, %dma_wait3A_72] : memref<8192x128xf32, #tpu.memory_space<hbm>> -> memref<128x128xf32, #tpu.memory_space<hbm>>
    %dma_wait3A_74 = arith.constant 0 : i32
    %dma_wait3A_75 = tpu.memref_slice %arg6[%add3A_48, %dma_wait3A_74] : memref<8192x128xf32, #tpu.memory_space<hbm>> -> memref<128x128xf32, #tpu.memory_space<hbm>>
    %dma_wait3A_76 = arith.constant 128 : i32
    %dma_wait3A_77 = arith.constant 0 : i32
    %dma_wait3A_78 = tpu.memref_slice %arg9[%dma_wait3A_76, %dma_wait3A_77] : memref<256x128xf32, #tpu.memory_space<vmem>> -> memref<128x128xf32, #tpu.memory_space<vmem>>
    tpu.wait_dma2 semaphore(%arg11 : memref<!tpu.dma_semaphore, #tpu.memory_space<semaphore_mem>>) src(%dma_wait3A_78 : memref<128x128xf32, #tpu.memory_space<vmem>>) dst(%dma_wait3A_75 : memref<128x128xf32, #tpu.memory_space<hbm>>)
    %eq3A = arith.constant 0 : i32
    %eq3A_79 = arith.cmpi eq, %add3A, %eq3A : i32
    %convert_element_type3A = arith.extui %eq3A_79 : i1 to i32
    %cond3A = arith.constant 0 : i32
    %cond3A_80 = arith.cmpi ne, %convert_element_type3A, %cond3A : i32
    scf.if %cond3A_80 {
      "tpu.region"() ({
        %run_scoped3A = tpu.sem_alloc : memref<!tpu.dma_semaphore, #tpu.memory_space<semaphore_mem>>
        tpu.enqueue_dma source(%arg3 : memref<16xi32, #tpu.memory_space<hbm>>) target(%arg12 : memref<16xi32, #tpu.memory_space<vmem>>) target_semaphore(%run_scoped3A : memref<!tpu.dma_semaphore, #tpu.memory_space<semaphore_mem>>)
        tpu.wait_dma2 semaphore(%run_scoped3A : memref<!tpu.dma_semaphore, #tpu.memory_space<semaphore_mem>>) src(%arg3 : memref<16xi32, #tpu.memory_space<hbm>>) dst(%arg12 : memref<16xi32, #tpu.memory_space<vmem>>)
        tpu.yield
      }) : () -> ()
      %dma_start3A_81 = arith.constant 0 : i32
      %dma_start3A_82 = arith.constant 0 : i32
      %dma_start3A_83 = tpu.memref_slice %arg5[%dma_start3A_81, %dma_start3A_82] : memref<100000x128xf32, #tpu.memory_space<hbm>> -> memref<100000x128xf32, #tpu.memory_space<hbm>>
      tpu.enqueue_indirect_dma source(%dma_start3A_83 : memref<100000x128xf32, #tpu.memory_space<hbm>>) target(%arg13 : memref<16x128xf32, #tpu.memory_space<vmem>>) offsets(%arg12 : memref<16xi32, #tpu.memory_space<vmem>>) semaphore(%arg14 : memref<!tpu.dma_semaphore, #tpu.memory_space<semaphore_mem>>)
      %dma_wait3A_84 = arith.constant 0 : i32
      %dma_wait3A_85 = arith.constant 0 : i32
      %dma_wait3A_86 = tpu.memref_slice %arg5[%dma_wait3A_84, %dma_wait3A_85] : memref<100000x128xf32, #tpu.memory_space<hbm>> -> memref<100000x128xf32, #tpu.memory_space<hbm>>
      tpu.wait_indirect_dma semaphore(%arg14 : memref<!tpu.dma_semaphore, #tpu.memory_space<semaphore_mem>>) src(%dma_wait3A_86 : memref<100000x128xf32, #tpu.memory_space<hbm>>) dst(%arg13 : memref<16x128xf32, #tpu.memory_space<vmem>>)
      "tpu.region"() ({
        %run_scoped3A = tpu.sem_alloc : memref<!tpu.dma_semaphore, #tpu.memory_space<semaphore_mem>>
        tpu.enqueue_dma source(%arg13 : memref<16x128xf32, #tpu.memory_space<vmem>>) target(%arg7 : memref<16x128xf32, #tpu.memory_space<hbm>>) target_semaphore(%run_scoped3A : memref<!tpu.dma_semaphore, #tpu.memory_space<semaphore_mem>>)
        tpu.wait_dma2 semaphore(%run_scoped3A : memref<!tpu.dma_semaphore, #tpu.memory_space<semaphore_mem>>) src(%arg13 : memref<16x128xf32, #tpu.memory_space<vmem>>) dst(%arg7 : memref<16x128xf32, #tpu.memory_space<hbm>>)
        tpu.yield
      }) : () -> ()
    } else {
    }
    return
  }
}

#map = affine_map<(d0, d1) -> (0)>
#map1 = affine_map<(d0, d1) -> (0, 0)>
module attributes {stable_mosaic.version = 14 : i64} {
  func.func @gather_kernel(%arg0: i32, %arg1: i32, %arg2: memref<16384xi32, #tpu.memory_space<hbm>>, %arg3: memref<100000x128xf32, #tpu.memory_space<hbm>>, %arg4: memref<8192x128xf32, #tpu.memory_space<hbm>>, %arg5: memref<256xi32, #tpu.memory_space<vmem>>, %arg6: memref<256x128xf32, #tpu.memory_space<vmem>>, %arg7: memref<!tpu.dma_semaphore, #tpu.memory_space<semaphore_mem>>, %arg8: memref<!tpu.dma_semaphore, #tpu.memory_space<semaphore_mem>>) attributes {dimension_semantics = [#tpu.dimension_semantics<core_parallel>, #tpu.dimension_semantics<subcore_parallel>], iteration_bounds = array<i64: 2, 16>, scalar_prefetch = 0 : i64, scratch_operands = 4 : i64, tpu.core_type = #tpu.core_type<sc_vector_subcore>, window_params = [{transform_indices = #map}, {transform_indices = #map1}, {transform_indices = #map1}]} {
    %mul3A = arith.constant 2 : i32
    %mul3A_0 = arith.muli %arg1, %mul3A : i32
    %add3A = arith.addi %mul3A_0, %arg0 : i32
    %mul3A_1 = arith.constant 256 : i32
    %mul3A_2 = arith.muli %add3A, %mul3A_1 : i32
    %add3A_3 = arith.constant 8192 : i32
    %add3A_4 = arith.addi %add3A_3, %mul3A_2 : i32
    "tpu.region"() ({
      %run_scoped3A = tpu.sem_alloc : memref<!tpu.dma_semaphore, #tpu.memory_space<semaphore_mem>>
      %dma_start3A_79 = tpu.memref_slice %arg2[%add3A_4] : memref<16384xi32, #tpu.memory_space<hbm>> -> memref<256xi32, #tpu.memory_space<hbm>>
      %dma_start3A_80 = tpu.memref_slice %arg2[%add3A_4] : memref<16384xi32, #tpu.memory_space<hbm>> -> memref<256xi32, #tpu.memory_space<hbm>>
      tpu.enqueue_dma source(%dma_start3A_80 : memref<256xi32, #tpu.memory_space<hbm>>) target(%arg5 : memref<256xi32, #tpu.memory_space<vmem>>) target_semaphore(%run_scoped3A : memref<!tpu.dma_semaphore, #tpu.memory_space<semaphore_mem>>)
      %dma_wait3A_81 = tpu.memref_slice %arg2[%add3A_4] : memref<16384xi32, #tpu.memory_space<hbm>> -> memref<256xi32, #tpu.memory_space<hbm>>
      %dma_wait3A_82 = tpu.memref_slice %arg2[%add3A_4] : memref<16384xi32, #tpu.memory_space<hbm>> -> memref<256xi32, #tpu.memory_space<hbm>>
      tpu.wait_dma2 semaphore(%run_scoped3A : memref<!tpu.dma_semaphore, #tpu.memory_space<semaphore_mem>>) src(%dma_wait3A_82 : memref<256xi32, #tpu.memory_space<hbm>>) dst(%arg5 : memref<256xi32, #tpu.memory_space<vmem>>)
      tpu.yield
    }) : () -> ()
    %dma_start3A = arith.constant 0 : i32
    %dma_start3A_5 = arith.constant 0 : i32
    %dma_start3A_6 = tpu.memref_slice %arg6[%dma_start3A, %dma_start3A_5] : memref<256x128xf32, #tpu.memory_space<vmem>> -> memref<128x128xf32, #tpu.memory_space<vmem>>
    %dma_start3A_7 = arith.constant 0 : i32
    %dma_start3A_8 = tpu.memref_slice %arg5[%dma_start3A_7] : memref<256xi32, #tpu.memory_space<vmem>> -> memref<128xi32, #tpu.memory_space<vmem>>
    %dma_start3A_9 = arith.constant 0 : i32
    %dma_start3A_10 = arith.constant 0 : i32
    %dma_start3A_11 = tpu.memref_slice %arg3[%dma_start3A_9, %dma_start3A_10] : memref<100000x128xf32, #tpu.memory_space<hbm>> -> memref<100000x128xf32, #tpu.memory_space<hbm>>
    tpu.enqueue_indirect_dma source(%dma_start3A_11 : memref<100000x128xf32, #tpu.memory_space<hbm>>) target(%dma_start3A_6 : memref<128x128xf32, #tpu.memory_space<vmem>>) offsets(%dma_start3A_8 : memref<128xi32, #tpu.memory_space<vmem>>) semaphore(%arg7 : memref<!tpu.dma_semaphore, #tpu.memory_space<semaphore_mem>>)
    %dma_start3A_12 = arith.constant 128 : i32
    %dma_start3A_13 = arith.constant 0 : i32
    %dma_start3A_14 = tpu.memref_slice %arg6[%dma_start3A_12, %dma_start3A_13] : memref<256x128xf32, #tpu.memory_space<vmem>> -> memref<128x128xf32, #tpu.memory_space<vmem>>
    %dma_start3A_15 = arith.constant 128 : i32
    %dma_start3A_16 = tpu.memref_slice %arg5[%dma_start3A_15] : memref<256xi32, #tpu.memory_space<vmem>> -> memref<128xi32, #tpu.memory_space<vmem>>
    %dma_start3A_17 = arith.constant 0 : i32
    %dma_start3A_18 = arith.constant 0 : i32
    %dma_start3A_19 = tpu.memref_slice %arg3[%dma_start3A_17, %dma_start3A_18] : memref<100000x128xf32, #tpu.memory_space<hbm>> -> memref<100000x128xf32, #tpu.memory_space<hbm>>
    tpu.enqueue_indirect_dma source(%dma_start3A_19 : memref<100000x128xf32, #tpu.memory_space<hbm>>) target(%dma_start3A_14 : memref<128x128xf32, #tpu.memory_space<vmem>>) offsets(%dma_start3A_16 : memref<128xi32, #tpu.memory_space<vmem>>) semaphore(%arg7 : memref<!tpu.dma_semaphore, #tpu.memory_space<semaphore_mem>>)
    %dma_wait3A = arith.constant 0 : i32
    %dma_wait3A_20 = arith.constant 0 : i32
    %dma_wait3A_21 = tpu.memref_slice %arg6[%dma_wait3A, %dma_wait3A_20] : memref<256x128xf32, #tpu.memory_space<vmem>> -> memref<128x128xf32, #tpu.memory_space<vmem>>
    %dma_wait3A_22 = arith.constant 0 : i32
    %dma_wait3A_23 = tpu.memref_slice %arg5[%dma_wait3A_22] : memref<256xi32, #tpu.memory_space<vmem>> -> memref<128xi32, #tpu.memory_space<vmem>>
    %dma_wait3A_24 = arith.constant 0 : i32
    %dma_wait3A_25 = arith.constant 0 : i32
    %dma_wait3A_26 = tpu.memref_slice %arg3[%dma_wait3A_24, %dma_wait3A_25] : memref<100000x128xf32, #tpu.memory_space<hbm>> -> memref<100000x128xf32, #tpu.memory_space<hbm>>
    tpu.wait_indirect_dma semaphore(%arg7 : memref<!tpu.dma_semaphore, #tpu.memory_space<semaphore_mem>>) src(%dma_wait3A_26 : memref<100000x128xf32, #tpu.memory_space<hbm>>) dst(%dma_wait3A_21 : memref<128x128xf32, #tpu.memory_space<vmem>>)
    %add3A_27 = arith.constant 0 : i32
    %add3A_28 = arith.addi %mul3A_2, %add3A_27 : i32
    %dma_start3A_29 = arith.constant 0 : i32
    %dma_start3A_30 = arith.constant 0 : i32
    %dma_start3A_31 = tpu.memref_slice %arg6[%dma_start3A_29, %dma_start3A_30] : memref<256x128xf32, #tpu.memory_space<vmem>> -> memref<128x128xf32, #tpu.memory_space<vmem>>
    %dma_start3A_32 = arith.constant 0 : i32
    %dma_start3A_33 = tpu.memref_slice %arg4[%add3A_28, %dma_start3A_32] : memref<8192x128xf32, #tpu.memory_space<hbm>> -> memref<128x128xf32, #tpu.memory_space<hbm>>
    %dma_start3A_34 = arith.constant 0 : i32
    %dma_start3A_35 = tpu.memref_slice %arg4[%add3A_28, %dma_start3A_34] : memref<8192x128xf32, #tpu.memory_space<hbm>> -> memref<128x128xf32, #tpu.memory_space<hbm>>
    %dma_start3A_36 = arith.constant 0 : i32
    %dma_start3A_37 = arith.constant 0 : i32
    %dma_start3A_38 = tpu.memref_slice %arg6[%dma_start3A_36, %dma_start3A_37] : memref<256x128xf32, #tpu.memory_space<vmem>> -> memref<128x128xf32, #tpu.memory_space<vmem>>
    tpu.enqueue_dma source(%dma_start3A_38 : memref<128x128xf32, #tpu.memory_space<vmem>>) target(%dma_start3A_35 : memref<128x128xf32, #tpu.memory_space<hbm>>) target_semaphore(%arg8 : memref<!tpu.dma_semaphore, #tpu.memory_space<semaphore_mem>>)
    %dma_wait3A_39 = arith.constant 128 : i32
    %dma_wait3A_40 = arith.constant 0 : i32
    %dma_wait3A_41 = tpu.memref_slice %arg6[%dma_wait3A_39, %dma_wait3A_40] : memref<256x128xf32, #tpu.memory_space<vmem>> -> memref<128x128xf32, #tpu.memory_space<vmem>>
    %dma_wait3A_42 = arith.constant 128 : i32
    %dma_wait3A_43 = tpu.memref_slice %arg5[%dma_wait3A_42] : memref<256xi32, #tpu.memory_space<vmem>> -> memref<128xi32, #tpu.memory_space<vmem>>
    %dma_wait3A_44 = arith.constant 0 : i32
    %dma_wait3A_45 = arith.constant 0 : i32
    %dma_wait3A_46 = tpu.memref_slice %arg3[%dma_wait3A_44, %dma_wait3A_45] : memref<100000x128xf32, #tpu.memory_space<hbm>> -> memref<100000x128xf32, #tpu.memory_space<hbm>>
    tpu.wait_indirect_dma semaphore(%arg7 : memref<!tpu.dma_semaphore, #tpu.memory_space<semaphore_mem>>) src(%dma_wait3A_46 : memref<100000x128xf32, #tpu.memory_space<hbm>>) dst(%dma_wait3A_41 : memref<128x128xf32, #tpu.memory_space<vmem>>)
    %add3A_47 = arith.constant 128 : i32
    %add3A_48 = arith.addi %mul3A_2, %add3A_47 : i32
    %dma_start3A_49 = arith.constant 128 : i32
    %dma_start3A_50 = arith.constant 0 : i32
    %dma_start3A_51 = tpu.memref_slice %arg6[%dma_start3A_49, %dma_start3A_50] : memref<256x128xf32, #tpu.memory_space<vmem>> -> memref<128x128xf32, #tpu.memory_space<vmem>>
    %dma_start3A_52 = arith.constant 0 : i32
    %dma_start3A_53 = tpu.memref_slice %arg4[%add3A_48, %dma_start3A_52] : memref<8192x128xf32, #tpu.memory_space<hbm>> -> memref<128x128xf32, #tpu.memory_space<hbm>>
    %dma_start3A_54 = arith.constant 0 : i32
    %dma_start3A_55 = tpu.memref_slice %arg4[%add3A_48, %dma_start3A_54] : memref<8192x128xf32, #tpu.memory_space<hbm>> -> memref<128x128xf32, #tpu.memory_space<hbm>>
    %dma_start3A_56 = arith.constant 128 : i32
    %dma_start3A_57 = arith.constant 0 : i32
    %dma_start3A_58 = tpu.memref_slice %arg6[%dma_start3A_56, %dma_start3A_57] : memref<256x128xf32, #tpu.memory_space<vmem>> -> memref<128x128xf32, #tpu.memory_space<vmem>>
    tpu.enqueue_dma source(%dma_start3A_58 : memref<128x128xf32, #tpu.memory_space<vmem>>) target(%dma_start3A_55 : memref<128x128xf32, #tpu.memory_space<hbm>>) target_semaphore(%arg8 : memref<!tpu.dma_semaphore, #tpu.memory_space<semaphore_mem>>)
    %dma_wait3A_59 = arith.constant 0 : i32
    %dma_wait3A_60 = arith.constant 0 : i32
    %dma_wait3A_61 = tpu.memref_slice %arg6[%dma_wait3A_59, %dma_wait3A_60] : memref<256x128xf32, #tpu.memory_space<vmem>> -> memref<128x128xf32, #tpu.memory_space<vmem>>
    %dma_wait3A_62 = arith.constant 0 : i32
    %dma_wait3A_63 = tpu.memref_slice %arg4[%add3A_28, %dma_wait3A_62] : memref<8192x128xf32, #tpu.memory_space<hbm>> -> memref<128x128xf32, #tpu.memory_space<hbm>>
    %dma_wait3A_64 = arith.constant 0 : i32
    %dma_wait3A_65 = tpu.memref_slice %arg4[%add3A_28, %dma_wait3A_64] : memref<8192x128xf32, #tpu.memory_space<hbm>> -> memref<128x128xf32, #tpu.memory_space<hbm>>
    %dma_wait3A_66 = arith.constant 0 : i32
    %dma_wait3A_67 = arith.constant 0 : i32
    %dma_wait3A_68 = tpu.memref_slice %arg6[%dma_wait3A_66, %dma_wait3A_67] : memref<256x128xf32, #tpu.memory_space<vmem>> -> memref<128x128xf32, #tpu.memory_space<vmem>>
    tpu.wait_dma2 semaphore(%arg8 : memref<!tpu.dma_semaphore, #tpu.memory_space<semaphore_mem>>) src(%dma_wait3A_68 : memref<128x128xf32, #tpu.memory_space<vmem>>) dst(%dma_wait3A_65 : memref<128x128xf32, #tpu.memory_space<hbm>>)
    %dma_wait3A_69 = arith.constant 128 : i32
    %dma_wait3A_70 = arith.constant 0 : i32
    %dma_wait3A_71 = tpu.memref_slice %arg6[%dma_wait3A_69, %dma_wait3A_70] : memref<256x128xf32, #tpu.memory_space<vmem>> -> memref<128x128xf32, #tpu.memory_space<vmem>>
    %dma_wait3A_72 = arith.constant 0 : i32
    %dma_wait3A_73 = tpu.memref_slice %arg4[%add3A_48, %dma_wait3A_72] : memref<8192x128xf32, #tpu.memory_space<hbm>> -> memref<128x128xf32, #tpu.memory_space<hbm>>
    %dma_wait3A_74 = arith.constant 0 : i32
    %dma_wait3A_75 = tpu.memref_slice %arg4[%add3A_48, %dma_wait3A_74] : memref<8192x128xf32, #tpu.memory_space<hbm>> -> memref<128x128xf32, #tpu.memory_space<hbm>>
    %dma_wait3A_76 = arith.constant 128 : i32
    %dma_wait3A_77 = arith.constant 0 : i32
    %dma_wait3A_78 = tpu.memref_slice %arg6[%dma_wait3A_76, %dma_wait3A_77] : memref<256x128xf32, #tpu.memory_space<vmem>> -> memref<128x128xf32, #tpu.memory_space<vmem>>
    tpu.wait_dma2 semaphore(%arg8 : memref<!tpu.dma_semaphore, #tpu.memory_space<semaphore_mem>>) src(%dma_wait3A_78 : memref<128x128xf32, #tpu.memory_space<vmem>>) dst(%dma_wait3A_75 : memref<128x128xf32, #tpu.memory_space<hbm>>)
    return
  }
}

module attributes {stable_mosaic.version = 14 : i64} {
  func.func @_tc_body(%arg0: i32, %arg1: memref<8192xi32, #tpu.memory_space<vmem>>, %arg2: memref<8192xi32, #tpu.memory_space<vmem>>, %arg3: memref<8192x128xf32, #tpu.memory_space<vmem>>, %arg4: memref<16x128xf32, #tpu.memory_space<vmem>>, %arg5: memref<5x128xf32, #tpu.memory_space<vmem>>, %arg6: memref<128x256xf32, #tpu.memory_space<vmem>>, %arg7: memref<128xf32, #tpu.memory_space<vmem>>, %arg8: memref<128x128xf32, #tpu.memory_space<vmem>>, %arg9: memref<128xf32, #tpu.memory_space<vmem>>, %arg10: memref<128x256xf32, #tpu.memory_space<vmem>>, %arg11: memref<128xf32, #tpu.memory_space<vmem>>, %arg12: memref<128x128xf32, #tpu.memory_space<vmem>>, %arg13: memref<128xf32, #tpu.memory_space<vmem>>, %arg14: memref<1x128xf32, #tpu.memory_space<vmem>>, %arg15: memref<16x1xf32, #tpu.memory_space<vmem>>, %arg16: memref<16x1xf32, #tpu.memory_space<vmem>>, %arg17: memref<16x128xf32, #tpu.memory_space<vmem>>, %arg18: memref<16x128xf32, #tpu.memory_space<vmem>>, %arg19: memref<16x1xf32, #tpu.memory_space<vmem>>, %arg20: memref<16x1xf32, #tpu.memory_space<vmem>>, %arg21: memref<16x128xf32, #tpu.memory_space<vmem>>, %arg22: memref<8x128xf32, #tpu.memory_space<vmem>>, %arg23: memref<16x128xf32, #tpu.memory_space<vmem>>) attributes {dimension_semantics = [#tpu.dimension_semantics<arbitrary>], iteration_bounds = array<i64: 1>, scalar_prefetch = 0 : i64, scratch_operands = 5 : i64, tpu.core_type = #tpu.core_type<tc>, window_params = [{transform_indices = @transform_0, window_bounds = array<i64: 8192>}, {transform_indices = @transform_1, window_bounds = array<i64: 8192>}, {transform_indices = @transform_2, window_bounds = array<i64: 8192, 128>}, {pipeline_mode = #tpu.pipeline_mode<synchronous>, transform_indices = @transform_3, window_bounds = array<i64: 16, 128>}, {pipeline_mode = #tpu.pipeline_mode<synchronous>, transform_indices = @transform_4, window_bounds = array<i64: 5, 128>}, {pipeline_mode = #tpu.pipeline_mode<synchronous>, transform_indices = @transform_5, window_bounds = array<i64: 128, 256>}, {pipeline_mode = #tpu.pipeline_mode<synchronous>, transform_indices = @transform_6, window_bounds = array<i64: 128>}, {pipeline_mode = #tpu.pipeline_mode<synchronous>, transform_indices = @transform_7, window_bounds = array<i64: 128, 128>}, {pipeline_mode = #tpu.pipeline_mode<synchronous>, transform_indices = @transform_8, window_bounds = array<i64: 128>}, {pipeline_mode = #tpu.pipeline_mode<synchronous>, transform_indices = @transform_9, window_bounds = array<i64: 128, 256>}, {pipeline_mode = #tpu.pipeline_mode<synchronous>, transform_indices = @transform_10, window_bounds = array<i64: 128>}, {pipeline_mode = #tpu.pipeline_mode<synchronous>, transform_indices = @transform_11, window_bounds = array<i64: 128, 128>}, {pipeline_mode = #tpu.pipeline_mode<synchronous>, transform_indices = @transform_12, window_bounds = array<i64: 128>}, {pipeline_mode = #tpu.pipeline_mode<synchronous>, transform_indices = @transform_13, window_bounds = array<i64: 1, 128>}, {pipeline_mode = #tpu.pipeline_mode<synchronous>, transform_indices = @transform_14, window_bounds = array<i64: 16, 1>}, {pipeline_mode = #tpu.pipeline_mode<synchronous>, transform_indices = @transform_15, window_bounds = array<i64: 16, 1>}, {pipeline_mode = #tpu.pipeline_mode<synchronous>, transform_indices = @transform_16, window_bounds = array<i64: 16, 128>}, {pipeline_mode = #tpu.pipeline_mode<synchronous>, transform_indices = @transform_17, window_bounds = array<i64: 16, 128>}]} {
    %eq3A = arith.constant 0 : i32
    %eq3A_0 = arith.cmpi eq, %arg0, %eq3A : i32
    %convert_element_type3A = arith.extui %eq3A_0 : i1 to i32
    %cond3A = arith.constant 0 : i32
    %cond3A_1 = arith.cmpi ne, %convert_element_type3A, %cond3A : i32
    scf.if %cond3A_1 {
      %get3A_135 = arith.constant 0 : index
      %get3A_136 = arith.constant 0 : index
      %get3A_137 = vector.load %arg15[%get3A_135, %get3A_136] : memref<16x1xf32, #tpu.memory_space<vmem>>, vector<16x1xf32>
      %swap3A_138 = arith.constant 0 : index
      %swap3A_139 = arith.constant 0 : index
      %swap3A_140 = vector.load %arg19[%swap3A_138, %swap3A_139] : memref<16x1xf32, #tpu.memory_space<vmem>>, vector<16x1xf32>
      tpu.vector_store %arg19[%swap3A_138, %swap3A_139], %get3A_137 {strides = array<i32>} : memref<16x1xf32, #tpu.memory_space<vmem>>, vector<16x1xf32>,
      %get3A_141 = arith.constant 0 : index
      %get3A_142 = arith.constant 0 : index
      %get3A_143 = vector.load %arg16[%get3A_141, %get3A_142] : memref<16x1xf32, #tpu.memory_space<vmem>>, vector<16x1xf32>
      %swap3A_144 = arith.constant 0 : index
      %swap3A_145 = arith.constant 0 : index
      %swap3A_146 = vector.load %arg20[%swap3A_144, %swap3A_145] : memref<16x1xf32, #tpu.memory_space<vmem>>, vector<16x1xf32>
      tpu.vector_store %arg20[%swap3A_144, %swap3A_145], %get3A_143 {strides = array<i32>} : memref<16x1xf32, #tpu.memory_space<vmem>>, vector<16x1xf32>,
      %get3A_147 = arith.constant 0 : index
      %get3A_148 = arith.constant 0 : index
      %get3A_149 = vector.load %arg17[%get3A_147, %get3A_148] : memref<16x128xf32, #tpu.memory_space<vmem>>, vector<16x128xf32>
      %swap3A_150 = arith.constant 0 : index
      %swap3A_151 = arith.constant 0 : index
      %swap3A_152 = vector.load %arg21[%swap3A_150, %swap3A_151] : memref<16x128xf32, #tpu.memory_space<vmem>>, vector<16x128xf32>
      tpu.vector_store %arg21[%swap3A_150, %swap3A_151], %get3A_149 {strides = array<i32>} : memref<16x128xf32, #tpu.memory_space<vmem>>, vector<16x128xf32>,
      %get3A_153 = arith.constant 0 : index
      %get3A_154 = arith.constant 0 : index
      %get3A_155 = vector.load %arg5[%get3A_153, %get3A_154] : memref<5x128xf32, #tpu.memory_space<vmem>>, vector<5x128xf32>
      %get3A_156 = arith.constant 0 : index
      %get3A_157 = arith.constant 128 : index
      %get3A_158 = vector.load %arg6[%get3A_156, %get3A_157] : memref<128x256xf32, #tpu.memory_space<vmem>>, vector<128x128xf32>
      %dot_general3A_159 = arith.constant dense<0.000000e+00> : vector<5x128xf32>
      %dot_general3A_160 = tpu.matmul %get3A_155, %get3A_158, %dot_general3A_159 {dimension_numbers = #tpu.dot_dimension_numbers<[1], [1], [0], [0], [0, 0, 1, 0], [], []>, transpose_lhs_hint = false} : vector<5x128xf32>, vector<128x128xf32>, vector<5x128xf32> -> vector<5x128xf32>
      %swap3A_161 = arith.constant 0 : index
      %swap3A_162 = arith.constant 0 : index
      %swap3A_163 = vector.load %arg22[%swap3A_161, %swap3A_162] : memref<8x128xf32, #tpu.memory_space<vmem>>, vector<5x128xf32>
      tpu.vector_store %arg22[%swap3A_161, %swap3A_162], %dot_general3A_160 {strides = array<i32>} : memref<8x128xf32, #tpu.memory_space<vmem>>, vector<5x128xf32>,
      %broadcast_in_dim3A_164 = arith.constant 0.000000e+00 : f32
      %broadcast_in_dim3A_165 = vector.broadcast %broadcast_in_dim3A_164 : f32 to vector<3x128xf32>
      %swap3A_166 = arith.constant 5 : index
      %swap3A_167 = arith.constant 0 : index
      %swap3A_168 = vector.load %arg22[%swap3A_166, %swap3A_167] : memref<8x128xf32, #tpu.memory_space<vmem>>, vector<3x128xf32>
      tpu.vector_store %arg22[%swap3A_166, %swap3A_167], %broadcast_in_dim3A_165 {strides = array<i32>} : memref<8x128xf32, #tpu.memory_space<vmem>>, vector<3x128xf32>,
      %get3A_169 = arith.constant 0 : index
      %get3A_170 = arith.constant 0 : index
      %get3A_171 = vector.load %arg4[%get3A_169, %get3A_170] : memref<16x128xf32, #tpu.memory_space<vmem>>, vector<16x128xf32>
      %get3A_172 = arith.constant 0 : index
      %get3A_173 = arith.constant 128 : index
      %get3A_174 = vector.load %arg10[%get3A_172, %get3A_173] : memref<128x256xf32, #tpu.memory_space<vmem>>, vector<128x128xf32>
      %dot_general3A_175 = arith.constant dense<0.000000e+00> : vector<16x128xf32>
      %dot_general3A_176 = tpu.matmul %get3A_171, %get3A_174, %dot_general3A_175 {dimension_numbers = #tpu.dot_dimension_numbers<[1], [1], [0], [0], [0, 0, 1, 0], [], []>, transpose_lhs_hint = false} : vector<16x128xf32>, vector<128x128xf32>, vector<16x128xf32> -> vector<16x128xf32>
      %swap3A_177 = arith.constant 0 : index
      %swap3A_178 = arith.constant 0 : index
      %swap3A_179 = vector.load %arg23[%swap3A_177, %swap3A_178] : memref<16x128xf32, #tpu.memory_space<vmem>>, vector<16x128xf32>
      tpu.vector_store %arg23[%swap3A_177, %swap3A_178], %dot_general3A_176 {strides = array<i32>} : memref<16x128xf32, #tpu.memory_space<vmem>>, vector<16x128xf32>,
    } else {
    }
    %get3A = arith.constant 0 : index
    %get3A_2 = arith.constant 0 : index
    %get3A_3 = vector.load %arg3[%get3A, %get3A_2] : memref<8192x128xf32, #tpu.memory_space<vmem>>, vector<8192x128xf32>
    %get3A_4 = arith.constant 0 : index
    %get3A_5 = vector.load %arg1[%get3A_4] : memref<8192xi32, #tpu.memory_space<vmem>>, vector<8192xi32>
    %reshape3A = vector.shape_cast %get3A_5 : vector<8192xi32> to vector<1x8192xi32>
    %get3A_6 = arith.constant 0 : index
    %get3A_7 = vector.load %arg2[%get3A_6] : memref<8192xi32, #tpu.memory_space<vmem>>, vector<8192xi32>
    %reshape3A_8 = vector.shape_cast %get3A_7 : vector<8192xi32> to vector<1x8192xi32>
    %iota3A = tpu.iota {dimensions = array<i32: 0>} : vector<8x8192xi32>
    %eq3A_9 = vector.broadcast %reshape3A : vector<1x8192xi32> to vector<8x8192xi32>
    %eq3A_10 = arith.cmpi eq, %iota3A, %eq3A_9 : vector<8x8192xi32>
    %convert_element_type3A_11 = arith.extui %eq3A_10 : vector<8x8192xi1> to vector<8x8192xi32>
    %convert_element_type3A_12 = arith.sitofp %convert_element_type3A_11 : vector<8x8192xi32> to vector<8x8192xf32>
    %iota3A_13 = tpu.iota {dimensions = array<i32: 0>} : vector<16x8192xi32>
    %eq3A_14 = vector.broadcast %reshape3A_8 : vector<1x8192xi32> to vector<16x8192xi32>
    %eq3A_15 = arith.cmpi eq, %iota3A_13, %eq3A_14 : vector<16x8192xi32>
    %get3A_16 = arith.constant 0 : index
    %get3A_17 = arith.constant 0 : index
    %get3A_18 = vector.load %arg22[%get3A_16, %get3A_17] : memref<8x128xf32, #tpu.memory_space<vmem>>, vector<8x128xf32>
    %dot_general3A = arith.constant dense<0.000000e+00> : vector<8192x128xf32>
    %dot_general3A_19 = tpu.matmul %convert_element_type3A_12, %get3A_18, %dot_general3A {dimension_numbers = #tpu.dot_dimension_numbers<[0], [0], [1], [1], [0, 1, 1, 1], [], []>, transpose_lhs_hint = false} : vector<8x8192xf32>, vector<8x128xf32>, vector<8192x128xf32> -> vector<8192x128xf32>
    %get3A_20 = arith.constant 0 : index
    %get3A_21 = arith.constant 0 : index
    %get3A_22 = vector.load %arg6[%get3A_20, %get3A_21] : memref<128x256xf32, #tpu.memory_space<vmem>>, vector<128x128xf32>
    %convert_element_type3A_23 = arith.truncf %get3A_3 : vector<8192x128xf32> to vector<8192x128xbf16>
    %convert_element_type3A_24 = arith.truncf %get3A_22 : vector<128x128xf32> to vector<128x128xbf16>
    %dot_general3A_25 = arith.constant dense<0.000000e+00> : vector<8192x128xf32>
    %dot_general3A_26 = tpu.matmul %convert_element_type3A_23, %convert_element_type3A_24, %dot_general3A_25 {dimension_numbers = #tpu.dot_dimension_numbers<[1], [1], [0], [0], [0, 0, 1, 0], [], []>, transpose_lhs_hint = false} : vector<8192x128xbf16>, vector<128x128xbf16>, vector<8192x128xf32> -> vector<8192x128xf32>
    %add3A = arith.addf %dot_general3A_26, %dot_general3A_19 : vector<8192x128xf32>
    %get3A_27 = arith.constant 0 : index
    %get3A_28 = vector.load %arg7[%get3A_27] : memref<128xf32, #tpu.memory_space<vmem>>, vector<128xf32>
    %broadcast_in_dim3A = vector.shape_cast %get3A_28 : vector<128xf32> to vector<1x128xf32>
    %add3A_29 = vector.broadcast %broadcast_in_dim3A : vector<1x128xf32> to vector<8192x128xf32>
    %add3A_30 = arith.addf %add3A, %add3A_29 : vector<8192x128xf32>
    %max3A = arith.constant 0.000000e+00 : f32
    %max3A_31 = vector.broadcast %max3A : f32 to vector<8192x128xf32>
    %max3A_32 = arith.maximumf %add3A_30, %max3A_31 : vector<8192x128xf32>
    %get3A_33 = arith.constant 0 : index
    %get3A_34 = arith.constant 0 : index
    %get3A_35 = vector.load %arg8[%get3A_33, %get3A_34] : memref<128x128xf32, #tpu.memory_space<vmem>>, vector<128x128xf32>
    %convert_element_type3A_36 = arith.truncf %max3A_32 : vector<8192x128xf32> to vector<8192x128xbf16>
    %convert_element_type3A_37 = arith.truncf %get3A_35 : vector<128x128xf32> to vector<128x128xbf16>
    %dot_general3A_38 = arith.constant dense<0.000000e+00> : vector<8192x128xf32>
    %dot_general3A_39 = tpu.matmul %convert_element_type3A_36, %convert_element_type3A_37, %dot_general3A_38 {dimension_numbers = #tpu.dot_dimension_numbers<[1], [1], [0], [0], [0, 0, 1, 0], [], []>, transpose_lhs_hint = false} : vector<8192x128xbf16>, vector<128x128xbf16>, vector<8192x128xf32> -> vector<8192x128xf32>
    %get3A_40 = arith.constant 0 : index
    %get3A_41 = vector.load %arg9[%get3A_40] : memref<128xf32, #tpu.memory_space<vmem>>, vector<128xf32>
    %broadcast_in_dim3A_42 = vector.shape_cast %get3A_41 : vector<128xf32> to vector<1x128xf32>
    %add3A_43 = vector.broadcast %broadcast_in_dim3A_42 : vector<1x128xf32> to vector<8192x128xf32>
    %add3A_44 = arith.addf %dot_general3A_39, %add3A_43 : vector<8192x128xf32>
    %max3A_45 = arith.constant 0.000000e+00 : f32
    %max3A_46 = vector.broadcast %max3A_45 : f32 to vector<8192x128xf32>
    %max3A_47 = arith.maximumf %add3A_44, %max3A_46 : vector<8192x128xf32>
    %convert_element_type3A_48 = arith.extui %eq3A_15 : vector<16x8192xi1> to vector<16x8192xi32>
    %convert_element_type3A_49 = arith.sitofp %convert_element_type3A_48 : vector<16x8192xi32> to vector<16x8192xf32>
    %get3A_50 = arith.constant 0 : index
    %get3A_51 = arith.constant 0 : index
    %get3A_52 = vector.load %arg23[%get3A_50, %get3A_51] : memref<16x128xf32, #tpu.memory_space<vmem>>, vector<16x128xf32>
    %dot_general3A_53 = arith.constant dense<0.000000e+00> : vector<8192x128xf32>
    %dot_general3A_54 = tpu.matmul %convert_element_type3A_49, %get3A_52, %dot_general3A_53 {dimension_numbers = #tpu.dot_dimension_numbers<[0], [0], [1], [1], [0, 1, 1, 1], [], []>, transpose_lhs_hint = false} : vector<16x8192xf32>, vector<16x128xf32>, vector<8192x128xf32> -> vector<8192x128xf32>
    %get3A_55 = arith.constant 0 : index
    %get3A_56 = arith.constant 0 : index
    %get3A_57 = vector.load %arg10[%get3A_55, %get3A_56] : memref<128x256xf32, #tpu.memory_space<vmem>>, vector<128x128xf32>
    %convert_element_type3A_58 = arith.truncf %max3A_47 : vector<8192x128xf32> to vector<8192x128xbf16>
    %convert_element_type3A_59 = arith.truncf %get3A_57 : vector<128x128xf32> to vector<128x128xbf16>
    %dot_general3A_60 = arith.constant dense<0.000000e+00> : vector<8192x128xf32>
    %dot_general3A_61 = tpu.matmul %convert_element_type3A_58, %convert_element_type3A_59, %dot_general3A_60 {dimension_numbers = #tpu.dot_dimension_numbers<[1], [1], [0], [0], [0, 0, 1, 0], [], []>, transpose_lhs_hint = false} : vector<8192x128xbf16>, vector<128x128xbf16>, vector<8192x128xf32> -> vector<8192x128xf32>
    %add3A_62 = arith.addf %dot_general3A_61, %dot_general3A_54 : vector<8192x128xf32>
    %get3A_63 = arith.constant 0 : index
    %get3A_64 = vector.load %arg11[%get3A_63] : memref<128xf32, #tpu.memory_space<vmem>>, vector<128xf32>
    %broadcast_in_dim3A_65 = vector.shape_cast %get3A_64 : vector<128xf32> to vector<1x128xf32>
    %add3A_66 = vector.broadcast %broadcast_in_dim3A_65 : vector<1x128xf32> to vector<8192x128xf32>
    %add3A_67 = arith.addf %add3A_62, %add3A_66 : vector<8192x128xf32>
    %max3A_68 = arith.constant 0.000000e+00 : f32
    %max3A_69 = vector.broadcast %max3A_68 : f32 to vector<8192x128xf32>
    %max3A_70 = arith.maximumf %add3A_67, %max3A_69 : vector<8192x128xf32>
    %get3A_71 = arith.constant 0 : index
    %get3A_72 = arith.constant 0 : index
    %get3A_73 = vector.load %arg12[%get3A_71, %get3A_72] : memref<128x128xf32, #tpu.memory_space<vmem>>, vector<128x128xf32>
    %convert_element_type3A_74 = arith.truncf %max3A_70 : vector<8192x128xf32> to vector<8192x128xbf16>
    %convert_element_type3A_75 = arith.truncf %get3A_73 : vector<128x128xf32> to vector<128x128xbf16>
    %dot_general3A_76 = arith.constant dense<0.000000e+00> : vector<8192x128xf32>
    %dot_general3A_77 = tpu.matmul %convert_element_type3A_74, %convert_element_type3A_75, %dot_general3A_76 {dimension_numbers = #tpu.dot_dimension_numbers<[1], [1], [0], [0], [0, 0, 1, 0], [], []>, transpose_lhs_hint = false} : vector<8192x128xbf16>, vector<128x128xbf16>, vector<8192x128xf32> -> vector<8192x128xf32>
    %get3A_78 = arith.constant 0 : index
    %get3A_79 = vector.load %arg13[%get3A_78] : memref<128xf32, #tpu.memory_space<vmem>>, vector<128xf32>
    %broadcast_in_dim3A_80 = vector.shape_cast %get3A_79 : vector<128xf32> to vector<1x128xf32>
    %add3A_81 = vector.broadcast %broadcast_in_dim3A_80 : vector<1x128xf32> to vector<8192x128xf32>
    %add3A_82 = arith.addf %dot_general3A_77, %add3A_81 : vector<8192x128xf32>
    %max3A_83 = arith.constant 0.000000e+00 : f32
    %max3A_84 = vector.broadcast %max3A_83 : f32 to vector<8192x128xf32>
    %max3A_85 = arith.maximumf %add3A_82, %max3A_84 : vector<8192x128xf32>
    %get3A_86 = arith.constant 0 : index
    %get3A_87 = arith.constant 0 : index
    %get3A_88 = vector.load %arg14[%get3A_86, %get3A_87] : memref<1x128xf32, #tpu.memory_space<vmem>>, vector<1x128xf32>
    %dot_general3A_89 = arith.constant dense<0.000000e+00> : vector<1x8192xf32>
    %dot_general3A_90 = tpu.matmul %get3A_88, %max3A_85, %dot_general3A_89 {dimension_numbers = #tpu.dot_dimension_numbers<[1], [1], [0], [0], [0, 0, 1, 0], [], []>, transpose_lhs_hint = false} : vector<1x128xf32>, vector<8192x128xf32>, vector<1x8192xf32> -> vector<1x8192xf32>
    %convert_element_type3A_91 = arith.extui %eq3A_15 : vector<16x8192xi1> to vector<16x8192xi32>
    %convert_element_type3A_92 = arith.sitofp %convert_element_type3A_91 : vector<16x8192xi32> to vector<16x8192xf32>
    %jit3A = arith.constant -1.000000e+30 : f32
    %broadcast_in_dim3A_93 = vector.shape_cast %dot_general3A_90 : vector<1x8192xf32> to vector<1x8192xf32>
    %broadcast_in_dim3A_94 = vector.broadcast %broadcast_in_dim3A_93 : vector<1x8192xf32> to vector<16x8192xf32>
    %broadcast_in_dim3A_95 = vector.broadcast %jit3A : f32 to vector<16x8192xf32>
    %select_n3A = arith.select %eq3A_15, %broadcast_in_dim3A_94, %broadcast_in_dim3A_95 : vector<16x8192xi1>, vector<16x8192xf32>
    %reduce_max3A = arith.constant dense<0xFF800000> : vector<16xf32>
    %reduce_max3A_96 = vector.multi_reduction <maximumf>, %select_n3A, %reduce_max3A [1] : vector<16x8192xf32> to vector<16xf32>
    %broadcast_in_dim3A_97 = vector.shape_cast %reduce_max3A_96 : vector<16xf32> to vector<16x1xf32>
    %get3A_98 = arith.constant 0 : index
    %get3A_99 = arith.constant 0 : index
    %get3A_100 = vector.load %arg19[%get3A_98, %get3A_99] : memref<16x1xf32, #tpu.memory_space<vmem>>, vector<16x1xf32>
    %max3A_101 = arith.maximumf %get3A_100, %broadcast_in_dim3A_97 : vector<16x1xf32>
    %sub3A = arith.subf %get3A_100, %max3A_101 : vector<16x1xf32>
    %exp3A = math.exp %sub3A : vector<16x1xf32>
    %dot_general3A_102 = arith.constant dense<0.000000e+00> : vector<1x8192xf32>
    %dot_general3A_103 = tpu.matmul %max3A_101, %convert_element_type3A_92, %dot_general3A_102 {dimension_numbers = #tpu.dot_dimension_numbers<[0], [0], [1], [1], [0, 1, 1, 1], [], []>, transpose_lhs_hint = false} : vector<16x1xf32>, vector<16x8192xf32>, vector<1x8192xf32> -> vector<1x8192xf32>
    %sub3A_104 = arith.subf %dot_general3A_90, %dot_general3A_103 : vector<1x8192xf32>
    %exp3A_105 = math.exp %sub3A_104 : vector<1x8192xf32>
    %mul3A = vector.broadcast %exp3A_105 : vector<1x8192xf32> to vector<16x8192xf32>
    %mul3A_106 = arith.mulf %convert_element_type3A_92, %mul3A : vector<16x8192xf32>
    %swap3A = arith.constant 0 : index
    %swap3A_107 = arith.constant 0 : index
    %swap3A_108 = vector.load %arg19[%swap3A, %swap3A_107] : memref<16x1xf32, #tpu.memory_space<vmem>>, vector<16x1xf32>
    tpu.vector_store %arg19[%swap3A, %swap3A_107], %max3A_101 {strides = array<i32>} : memref<16x1xf32, #tpu.memory_space<vmem>>, vector<16x1xf32>,
    %get3A_109 = arith.constant 0 : index
    %get3A_110 = arith.constant 0 : index
    %get3A_111 = vector.load %arg20[%get3A_109, %get3A_110] : memref<16x1xf32, #tpu.memory_space<vmem>>, vector<16x1xf32>
    %mul3A_112 = arith.mulf %get3A_111, %exp3A : vector<16x1xf32>
    %reduce_sum3A = arith.constant dense<0.000000e+00> : vector<16xf32>
    %reduce_sum3A_113 = vector.multi_reduction <add>, %mul3A_106, %reduce_sum3A [1] : vector<16x8192xf32> to vector<16xf32>
    %broadcast_in_dim3A_114 = vector.shape_cast %reduce_sum3A_113 : vector<16xf32> to vector<16x1xf32>
    %add3A_115 = arith.addf %mul3A_112, %broadcast_in_dim3A_114 : vector<16x1xf32>
    %swap3A_116 = arith.constant 0 : index
    %swap3A_117 = arith.constant 0 : index
    %swap3A_118 = vector.load %arg20[%swap3A_116, %swap3A_117] : memref<16x1xf32, #tpu.memory_space<vmem>>, vector<16x1xf32>
    tpu.vector_store %arg20[%swap3A_116, %swap3A_117], %add3A_115 {strides = array<i32>} : memref<16x1xf32, #tpu.memory_space<vmem>>, vector<16x1xf32>,
    %get3A_119 = arith.constant 0 : index
    %get3A_120 = arith.constant 0 : index
    %get3A_121 = vector.load %arg21[%get3A_119, %get3A_120] : memref<16x128xf32, #tpu.memory_space<vmem>>, vector<16x128xf32>
    %mul3A_122 = vector.broadcast %exp3A : vector<16x1xf32> to vector<16x128xf32>
    %mul3A_123 = arith.mulf %get3A_121, %mul3A_122 : vector<16x128xf32>
    %dot_general3A_124 = arith.constant dense<0.000000e+00> : vector<16x128xf32>
    %dot_general3A_125 = tpu.matmul %mul3A_106, %max3A_47, %dot_general3A_124 {dimension_numbers = #tpu.dot_dimension_numbers<[1], [0], [0], [1], [0, 0, 1, 1], [], []>, transpose_lhs_hint = false} : vector<16x8192xf32>, vector<8192x128xf32>, vector<16x128xf32> -> vector<16x128xf32>
    %add3A_126 = arith.addf %mul3A_123, %dot_general3A_125 : vector<16x128xf32>
    %swap3A_127 = arith.constant 0 : index
    %swap3A_128 = arith.constant 0 : index
    %swap3A_129 = vector.load %arg21[%swap3A_127, %swap3A_128] : memref<16x128xf32, #tpu.memory_space<vmem>>, vector<16x128xf32>
    tpu.vector_store %arg21[%swap3A_127, %swap3A_128], %add3A_126 {strides = array<i32>} : memref<16x128xf32, #tpu.memory_space<vmem>>, vector<16x128xf32>,
    %eq3A_130 = arith.constant 0 : i32
    %eq3A_131 = arith.cmpi eq, %arg0, %eq3A_130 : i32
    %convert_element_type3A_132 = arith.extui %eq3A_131 : i1 to i32
    %cond3A_133 = arith.constant 0 : i32
    %cond3A_134 = arith.cmpi ne, %convert_element_type3A_132, %cond3A_133 : i32
    scf.if %cond3A_134 {
      %get3A_135 = arith.constant 0 : index
      %get3A_136 = arith.constant 0 : index
      %get3A_137 = vector.load %arg20[%get3A_135, %get3A_136] : memref<16x1xf32, #tpu.memory_space<vmem>>, vector<16x1xf32>
      %gt3A = arith.constant 0.000000e+00 : f32
      %gt3A_138 = vector.broadcast %gt3A : f32 to vector<16x1xf32>
      %gt3A_139 = arith.cmpf ogt, %get3A_137, %gt3A_138 : vector<16x1xf32>
      %get3A_140 = arith.constant 0 : index
      %get3A_141 = arith.constant 0 : index
      %get3A_142 = vector.load %arg21[%get3A_140, %get3A_141] : memref<16x128xf32, #tpu.memory_space<vmem>>, vector<16x128xf32>
      %div3A = vector.broadcast %get3A_137 : vector<16x1xf32> to vector<16x128xf32>
      %div3A_143 = arith.divf %get3A_142, %div3A : vector<16x128xf32>
      %jit3A_144 = arith.constant 0.000000e+00 : f32
      %broadcast_in_dim3A_145 = vector.shape_cast %gt3A_139 : vector<16x1xi1> to vector<16x1xi1>
      %broadcast_in_dim3A_146 = vector.broadcast %broadcast_in_dim3A_145 : vector<16x1xi1> to vector<16x128xi1>
      %broadcast_in_dim3A_147 = vector.broadcast %jit3A_144 : f32 to vector<16x128xf32>
      %select_n3A_148 = arith.select %broadcast_in_dim3A_146, %div3A_143, %broadcast_in_dim3A_147 : vector<16x128xi1>, vector<16x128xf32>
      %swap3A_149 = arith.constant 0 : index
      %swap3A_150 = arith.constant 0 : index
      %swap3A_151 = vector.load %arg18[%swap3A_149, %swap3A_150] : memref<16x128xf32, #tpu.memory_space<vmem>>, vector<16x128xf32>
      tpu.vector_store %arg18[%swap3A_149, %swap3A_150], %select_n3A_148 {strides = array<i32>} : memref<16x128xf32, #tpu.memory_space<vmem>>, vector<16x128xf32>,
    } else {
    }
    return
  }
  func.func @transform_0(%arg0: i32) -> i32 {
    %add3A = arith.constant 1 : i32
    %add3A_0 = arith.addi %add3A, %arg0 : i32
    %c0_i32 = arith.constant 0 : i32
    return %add3A_0 : i32
  }
  func.func @transform_1(%arg0: i32) -> i32 {
    %add3A = arith.constant 1 : i32
    %add3A_0 = arith.addi %add3A, %arg0 : i32
    %c0_i32 = arith.constant 0 : i32
    return %add3A_0 : i32
  }
  func.func @transform_2(%arg0: i32) -> (i32, i32) {
    %c0_i32 = arith.constant 0 : i32
    %c0_i32_0 = arith.constant 0 : i32
    return %arg0, %c0_i32 : i32, i32
  }
  func.func @transform_3(%arg0: i32) -> (i32, i32) {
    %c0_i32 = arith.constant 0 : i32
    %c0_i32_0 = arith.constant 0 : i32
    %c0_i32_1 = arith.constant 0 : i32
    return %c0_i32, %c0_i32_0 : i32, i32
  }
  func.func @transform_4(%arg0: i32) -> (i32, i32) {
    %c0_i32 = arith.constant 0 : i32
    %c0_i32_0 = arith.constant 0 : i32
    %c0_i32_1 = arith.constant 0 : i32
    return %c0_i32, %c0_i32_0 : i32, i32
  }
  func.func @transform_5(%arg0: i32) -> (i32, i32) {
    %c0_i32 = arith.constant 0 : i32
    %c0_i32_0 = arith.constant 0 : i32
    %c0_i32_1 = arith.constant 0 : i32
    return %c0_i32, %c0_i32_0 : i32, i32
  }
  func.func @transform_6(%arg0: i32) -> i32 {
    %c0_i32 = arith.constant 0 : i32
    %c0_i32_0 = arith.constant 0 : i32
    return %c0_i32 : i32
  }
  func.func @transform_7(%arg0: i32) -> (i32, i32) {
    %c0_i32 = arith.constant 0 : i32
    %c0_i32_0 = arith.constant 0 : i32
    %c0_i32_1 = arith.constant 0 : i32
    return %c0_i32, %c0_i32_0 : i32, i32
  }
  func.func @transform_8(%arg0: i32) -> i32 {
    %c0_i32 = arith.constant 0 : i32
    %c0_i32_0 = arith.constant 0 : i32
    return %c0_i32 : i32
  }
  func.func @transform_9(%arg0: i32) -> (i32, i32) {
    %c0_i32 = arith.constant 0 : i32
    %c0_i32_0 = arith.constant 0 : i32
    %c0_i32_1 = arith.constant 0 : i32
    return %c0_i32, %c0_i32_0 : i32, i32
  }
  func.func @transform_10(%arg0: i32) -> i32 {
    %c0_i32 = arith.constant 0 : i32
    %c0_i32_0 = arith.constant 0 : i32
    return %c0_i32 : i32
  }
  func.func @transform_11(%arg0: i32) -> (i32, i32) {
    %c0_i32 = arith.constant 0 : i32
    %c0_i32_0 = arith.constant 0 : i32
    %c0_i32_1 = arith.constant 0 : i32
    return %c0_i32, %c0_i32_0 : i32, i32
  }
  func.func @transform_12(%arg0: i32) -> i32 {
    %c0_i32 = arith.constant 0 : i32
    %c0_i32_0 = arith.constant 0 : i32
    return %c0_i32 : i32
  }
  func.func @transform_13(%arg0: i32) -> (i32, i32) {
    %c0_i32 = arith.constant 0 : i32
    %c0_i32_0 = arith.constant 0 : i32
    %c0_i32_1 = arith.constant 0 : i32
    return %c0_i32, %c0_i32_0 : i32, i32
  }
  func.func @transform_14(%arg0: i32) -> (i32, i32) {
    %c0_i32 = arith.constant 0 : i32
    %c0_i32_0 = arith.constant 0 : i32
    %c0_i32_1 = arith.constant 0 : i32
    return %c0_i32, %c0_i32_0 : i32, i32
  }
  func.func @transform_15(%arg0: i32) -> (i32, i32) {
    %c0_i32 = arith.constant 0 : i32
    %c0_i32_0 = arith.constant 0 : i32
    %c0_i32_1 = arith.constant 0 : i32
    return %c0_i32, %c0_i32_0 : i32, i32
  }
  func.func @transform_16(%arg0: i32) -> (i32, i32) {
    %c0_i32 = arith.constant 0 : i32
    %c0_i32_0 = arith.constant 0 : i32
    %c0_i32_1 = arith.constant 0 : i32
    return %c0_i32, %c0_i32_0 : i32, i32
  }
  func.func @transform_17(%arg0: i32) -> (i32, i32) {
    %c0_i32 = arith.constant 0 : i32
    %c0_i32_0 = arith.constant 0 : i32
    %c0_i32_1 = arith.constant 0 : i32
    return %c0_i32, %c0_i32_0 : i32, i32
  }
}

module attributes {stable_mosaic.version = 14 : i64} {
  func.func @_tc_body(%arg0: i32, %arg1: memref<8192xi32, #tpu.memory_space<vmem>>, %arg2: memref<8192xi32, #tpu.memory_space<vmem>>, %arg3: memref<8192x128xf32, #tpu.memory_space<vmem>>, %arg4: memref<16x128xf32, #tpu.memory_space<vmem>>, %arg5: memref<5x128xf32, #tpu.memory_space<vmem>>, %arg6: memref<128x256xf32, #tpu.memory_space<vmem>>, %arg7: memref<128xf32, #tpu.memory_space<vmem>>, %arg8: memref<128x128xf32, #tpu.memory_space<vmem>>, %arg9: memref<128xf32, #tpu.memory_space<vmem>>, %arg10: memref<128x256xf32, #tpu.memory_space<vmem>>, %arg11: memref<128xf32, #tpu.memory_space<vmem>>, %arg12: memref<128x128xf32, #tpu.memory_space<vmem>>, %arg13: memref<128xf32, #tpu.memory_space<vmem>>, %arg14: memref<1x128xf32, #tpu.memory_space<vmem>>, %arg15: memref<16x1xf32, #tpu.memory_space<vmem>>, %arg16: memref<16x1xf32, #tpu.memory_space<vmem>>, %arg17: memref<16x128xf32, #tpu.memory_space<vmem>>, %arg18: memref<16x1xf32, #tpu.memory_space<vmem>>, %arg19: memref<16x1xf32, #tpu.memory_space<vmem>>, %arg20: memref<16x128xf32, #tpu.memory_space<vmem>>, %arg21: memref<8x128xf32, #tpu.memory_space<vmem>>, %arg22: memref<16x128xf32, #tpu.memory_space<vmem>>) attributes {dimension_semantics = [#tpu.dimension_semantics<arbitrary>], iteration_bounds = array<i64: 1>, scalar_prefetch = 0 : i64, scratch_operands = 5 : i64, tpu.core_type = #tpu.core_type<tc>, window_params = [{transform_indices = @transform_0, window_bounds = array<i64: 8192>}, {transform_indices = @transform_1, window_bounds = array<i64: 8192>}, {transform_indices = @transform_2, window_bounds = array<i64: 8192, 128>}, {pipeline_mode = #tpu.pipeline_mode<synchronous>, transform_indices = @transform_3, window_bounds = array<i64: 16, 128>}, {pipeline_mode = #tpu.pipeline_mode<synchronous>, transform_indices = @transform_4, window_bounds = array<i64: 5, 128>}, {pipeline_mode = #tpu.pipeline_mode<synchronous>, transform_indices = @transform_5, window_bounds = array<i64: 128, 256>}, {pipeline_mode = #tpu.pipeline_mode<synchronous>, transform_indices = @transform_6, window_bounds = array<i64: 128>}, {pipeline_mode = #tpu.pipeline_mode<synchronous>, transform_indices = @transform_7, window_bounds = array<i64: 128, 128>}, {pipeline_mode = #tpu.pipeline_mode<synchronous>, transform_indices = @transform_8, window_bounds = array<i64: 128>}, {pipeline_mode = #tpu.pipeline_mode<synchronous>, transform_indices = @transform_9, window_bounds = array<i64: 128, 256>}, {pipeline_mode = #tpu.pipeline_mode<synchronous>, transform_indices = @transform_10, window_bounds = array<i64: 128>}, {pipeline_mode = #tpu.pipeline_mode<synchronous>, transform_indices = @transform_11, window_bounds = array<i64: 128, 128>}, {pipeline_mode = #tpu.pipeline_mode<synchronous>, transform_indices = @transform_12, window_bounds = array<i64: 128>}, {pipeline_mode = #tpu.pipeline_mode<synchronous>, transform_indices = @transform_13, window_bounds = array<i64: 1, 128>}, {pipeline_mode = #tpu.pipeline_mode<synchronous>, transform_indices = @transform_14, window_bounds = array<i64: 16, 1>}, {pipeline_mode = #tpu.pipeline_mode<synchronous>, transform_indices = @transform_15, window_bounds = array<i64: 16, 1>}, {pipeline_mode = #tpu.pipeline_mode<synchronous>, transform_indices = @transform_16, window_bounds = array<i64: 16, 128>}]} {
    %eq3A = arith.constant 0 : i32
    %eq3A_0 = arith.cmpi eq, %arg0, %eq3A : i32
    %convert_element_type3A = arith.extui %eq3A_0 : i1 to i32
    %cond3A = arith.constant 0 : i32
    %cond3A_1 = arith.cmpi ne, %convert_element_type3A, %cond3A : i32
    scf.if %cond3A_1 {
      %broadcast_in_dim3A_135 = arith.constant -1.000000e+30 : f32
      %broadcast_in_dim3A_136 = vector.broadcast %broadcast_in_dim3A_135 : f32 to vector<16x1xf32>
      %swap3A_137 = arith.constant 0 : index
      %swap3A_138 = arith.constant 0 : index
      %swap3A_139 = vector.load %arg18[%swap3A_137, %swap3A_138] : memref<16x1xf32, #tpu.memory_space<vmem>>, vector<16x1xf32>
      tpu.vector_store %arg18[%swap3A_137, %swap3A_138], %broadcast_in_dim3A_136 {strides = array<i32>} : memref<16x1xf32, #tpu.memory_space<vmem>>, vector<16x1xf32>,
      %broadcast_in_dim3A_140 = arith.constant 0.000000e+00 : f32
      %broadcast_in_dim3A_141 = vector.broadcast %broadcast_in_dim3A_140 : f32 to vector<16x1xf32>
      %swap3A_142 = arith.constant 0 : index
      %swap3A_143 = arith.constant 0 : index
      %swap3A_144 = vector.load %arg19[%swap3A_142, %swap3A_143] : memref<16x1xf32, #tpu.memory_space<vmem>>, vector<16x1xf32>
      tpu.vector_store %arg19[%swap3A_142, %swap3A_143], %broadcast_in_dim3A_141 {strides = array<i32>} : memref<16x1xf32, #tpu.memory_space<vmem>>, vector<16x1xf32>,
      %broadcast_in_dim3A_145 = arith.constant 0.000000e+00 : f32
      %broadcast_in_dim3A_146 = vector.broadcast %broadcast_in_dim3A_145 : f32 to vector<16x128xf32>
      %swap3A_147 = arith.constant 0 : index
      %swap3A_148 = arith.constant 0 : index
      %swap3A_149 = vector.load %arg20[%swap3A_147, %swap3A_148] : memref<16x128xf32, #tpu.memory_space<vmem>>, vector<16x128xf32>
      tpu.vector_store %arg20[%swap3A_147, %swap3A_148], %broadcast_in_dim3A_146 {strides = array<i32>} : memref<16x128xf32, #tpu.memory_space<vmem>>, vector<16x128xf32>,
      %get3A_150 = arith.constant 0 : index
      %get3A_151 = arith.constant 0 : index
      %get3A_152 = vector.load %arg5[%get3A_150, %get3A_151] : memref<5x128xf32, #tpu.memory_space<vmem>>, vector<5x128xf32>
      %get3A_153 = arith.constant 0 : index
      %get3A_154 = arith.constant 128 : index
      %get3A_155 = vector.load %arg6[%get3A_153, %get3A_154] : memref<128x256xf32, #tpu.memory_space<vmem>>, vector<128x128xf32>
      %dot_general3A_156 = arith.constant dense<0.000000e+00> : vector<5x128xf32>
      %dot_general3A_157 = tpu.matmul %get3A_152, %get3A_155, %dot_general3A_156 {dimension_numbers = #tpu.dot_dimension_numbers<[1], [1], [0], [0], [0, 0, 1, 0], [], []>, transpose_lhs_hint = false} : vector<5x128xf32>, vector<128x128xf32>, vector<5x128xf32> -> vector<5x128xf32>
      %swap3A_158 = arith.constant 0 : index
      %swap3A_159 = arith.constant 0 : index
      %swap3A_160 = vector.load %arg21[%swap3A_158, %swap3A_159] : memref<8x128xf32, #tpu.memory_space<vmem>>, vector<5x128xf32>
      tpu.vector_store %arg21[%swap3A_158, %swap3A_159], %dot_general3A_157 {strides = array<i32>} : memref<8x128xf32, #tpu.memory_space<vmem>>, vector<5x128xf32>,
      %broadcast_in_dim3A_161 = arith.constant 0.000000e+00 : f32
      %broadcast_in_dim3A_162 = vector.broadcast %broadcast_in_dim3A_161 : f32 to vector<3x128xf32>
      %swap3A_163 = arith.constant 5 : index
      %swap3A_164 = arith.constant 0 : index
      %swap3A_165 = vector.load %arg21[%swap3A_163, %swap3A_164] : memref<8x128xf32, #tpu.memory_space<vmem>>, vector<3x128xf32>
      tpu.vector_store %arg21[%swap3A_163, %swap3A_164], %broadcast_in_dim3A_162 {strides = array<i32>} : memref<8x128xf32, #tpu.memory_space<vmem>>, vector<3x128xf32>,
      %get3A_166 = arith.constant 0 : index
      %get3A_167 = arith.constant 0 : index
      %get3A_168 = vector.load %arg4[%get3A_166, %get3A_167] : memref<16x128xf32, #tpu.memory_space<vmem>>, vector<16x128xf32>
      %get3A_169 = arith.constant 0 : index
      %get3A_170 = arith.constant 128 : index
      %get3A_171 = vector.load %arg10[%get3A_169, %get3A_170] : memref<128x256xf32, #tpu.memory_space<vmem>>, vector<128x128xf32>
      %dot_general3A_172 = arith.constant dense<0.000000e+00> : vector<16x128xf32>
      %dot_general3A_173 = tpu.matmul %get3A_168, %get3A_171, %dot_general3A_172 {dimension_numbers = #tpu.dot_dimension_numbers<[1], [1], [0], [0], [0, 0, 1, 0], [], []>, transpose_lhs_hint = false} : vector<16x128xf32>, vector<128x128xf32>, vector<16x128xf32> -> vector<16x128xf32>
      %swap3A_174 = arith.constant 0 : index
      %swap3A_175 = arith.constant 0 : index
      %swap3A_176 = vector.load %arg22[%swap3A_174, %swap3A_175] : memref<16x128xf32, #tpu.memory_space<vmem>>, vector<16x128xf32>
      tpu.vector_store %arg22[%swap3A_174, %swap3A_175], %dot_general3A_173 {strides = array<i32>} : memref<16x128xf32, #tpu.memory_space<vmem>>, vector<16x128xf32>,
    } else {
    }
    %get3A = arith.constant 0 : index
    %get3A_2 = arith.constant 0 : index
    %get3A_3 = vector.load %arg3[%get3A, %get3A_2] : memref<8192x128xf32, #tpu.memory_space<vmem>>, vector<8192x128xf32>
    %get3A_4 = arith.constant 0 : index
    %get3A_5 = vector.load %arg1[%get3A_4] : memref<8192xi32, #tpu.memory_space<vmem>>, vector<8192xi32>
    %reshape3A = vector.shape_cast %get3A_5 : vector<8192xi32> to vector<1x8192xi32>
    %get3A_6 = arith.constant 0 : index
    %get3A_7 = vector.load %arg2[%get3A_6] : memref<8192xi32, #tpu.memory_space<vmem>>, vector<8192xi32>
    %reshape3A_8 = vector.shape_cast %get3A_7 : vector<8192xi32> to vector<1x8192xi32>
    %iota3A = tpu.iota {dimensions = array<i32: 0>} : vector<8x8192xi32>
    %eq3A_9 = vector.broadcast %reshape3A : vector<1x8192xi32> to vector<8x8192xi32>
    %eq3A_10 = arith.cmpi eq, %iota3A, %eq3A_9 : vector<8x8192xi32>
    %convert_element_type3A_11 = arith.extui %eq3A_10 : vector<8x8192xi1> to vector<8x8192xi32>
    %convert_element_type3A_12 = arith.sitofp %convert_element_type3A_11 : vector<8x8192xi32> to vector<8x8192xf32>
    %iota3A_13 = tpu.iota {dimensions = array<i32: 0>} : vector<16x8192xi32>
    %eq3A_14 = vector.broadcast %reshape3A_8 : vector<1x8192xi32> to vector<16x8192xi32>
    %eq3A_15 = arith.cmpi eq, %iota3A_13, %eq3A_14 : vector<16x8192xi32>
    %get3A_16 = arith.constant 0 : index
    %get3A_17 = arith.constant 0 : index
    %get3A_18 = vector.load %arg21[%get3A_16, %get3A_17] : memref<8x128xf32, #tpu.memory_space<vmem>>, vector<8x128xf32>
    %dot_general3A = arith.constant dense<0.000000e+00> : vector<8192x128xf32>
    %dot_general3A_19 = tpu.matmul %convert_element_type3A_12, %get3A_18, %dot_general3A {dimension_numbers = #tpu.dot_dimension_numbers<[0], [0], [1], [1], [0, 1, 1, 1], [], []>, transpose_lhs_hint = false} : vector<8x8192xf32>, vector<8x128xf32>, vector<8192x128xf32> -> vector<8192x128xf32>
    %get3A_20 = arith.constant 0 : index
    %get3A_21 = arith.constant 0 : index
    %get3A_22 = vector.load %arg6[%get3A_20, %get3A_21] : memref<128x256xf32, #tpu.memory_space<vmem>>, vector<128x128xf32>
    %convert_element_type3A_23 = arith.truncf %get3A_3 : vector<8192x128xf32> to vector<8192x128xbf16>
    %convert_element_type3A_24 = arith.truncf %get3A_22 : vector<128x128xf32> to vector<128x128xbf16>
    %dot_general3A_25 = arith.constant dense<0.000000e+00> : vector<8192x128xf32>
    %dot_general3A_26 = tpu.matmul %convert_element_type3A_23, %convert_element_type3A_24, %dot_general3A_25 {dimension_numbers = #tpu.dot_dimension_numbers<[1], [1], [0], [0], [0, 0, 1, 0], [], []>, transpose_lhs_hint = false} : vector<8192x128xbf16>, vector<128x128xbf16>, vector<8192x128xf32> -> vector<8192x128xf32>
    %add3A = arith.addf %dot_general3A_26, %dot_general3A_19 : vector<8192x128xf32>
    %get3A_27 = arith.constant 0 : index
    %get3A_28 = vector.load %arg7[%get3A_27] : memref<128xf32, #tpu.memory_space<vmem>>, vector<128xf32>
    %broadcast_in_dim3A = vector.shape_cast %get3A_28 : vector<128xf32> to vector<1x128xf32>
    %add3A_29 = vector.broadcast %broadcast_in_dim3A : vector<1x128xf32> to vector<8192x128xf32>
    %add3A_30 = arith.addf %add3A, %add3A_29 : vector<8192x128xf32>
    %max3A = arith.constant 0.000000e+00 : f32
    %max3A_31 = vector.broadcast %max3A : f32 to vector<8192x128xf32>
    %max3A_32 = arith.maximumf %add3A_30, %max3A_31 : vector<8192x128xf32>
    %get3A_33 = arith.constant 0 : index
    %get3A_34 = arith.constant 0 : index
    %get3A_35 = vector.load %arg8[%get3A_33, %get3A_34] : memref<128x128xf32, #tpu.memory_space<vmem>>, vector<128x128xf32>
    %convert_element_type3A_36 = arith.truncf %max3A_32 : vector<8192x128xf32> to vector<8192x128xbf16>
    %convert_element_type3A_37 = arith.truncf %get3A_35 : vector<128x128xf32> to vector<128x128xbf16>
    %dot_general3A_38 = arith.constant dense<0.000000e+00> : vector<8192x128xf32>
    %dot_general3A_39 = tpu.matmul %convert_element_type3A_36, %convert_element_type3A_37, %dot_general3A_38 {dimension_numbers = #tpu.dot_dimension_numbers<[1], [1], [0], [0], [0, 0, 1, 0], [], []>, transpose_lhs_hint = false} : vector<8192x128xbf16>, vector<128x128xbf16>, vector<8192x128xf32> -> vector<8192x128xf32>
    %get3A_40 = arith.constant 0 : index
    %get3A_41 = vector.load %arg9[%get3A_40] : memref<128xf32, #tpu.memory_space<vmem>>, vector<128xf32>
    %broadcast_in_dim3A_42 = vector.shape_cast %get3A_41 : vector<128xf32> to vector<1x128xf32>
    %add3A_43 = vector.broadcast %broadcast_in_dim3A_42 : vector<1x128xf32> to vector<8192x128xf32>
    %add3A_44 = arith.addf %dot_general3A_39, %add3A_43 : vector<8192x128xf32>
    %max3A_45 = arith.constant 0.000000e+00 : f32
    %max3A_46 = vector.broadcast %max3A_45 : f32 to vector<8192x128xf32>
    %max3A_47 = arith.maximumf %add3A_44, %max3A_46 : vector<8192x128xf32>
    %convert_element_type3A_48 = arith.extui %eq3A_15 : vector<16x8192xi1> to vector<16x8192xi32>
    %convert_element_type3A_49 = arith.sitofp %convert_element_type3A_48 : vector<16x8192xi32> to vector<16x8192xf32>
    %get3A_50 = arith.constant 0 : index
    %get3A_51 = arith.constant 0 : index
    %get3A_52 = vector.load %arg22[%get3A_50, %get3A_51] : memref<16x128xf32, #tpu.memory_space<vmem>>, vector<16x128xf32>
    %dot_general3A_53 = arith.constant dense<0.000000e+00> : vector<8192x128xf32>
    %dot_general3A_54 = tpu.matmul %convert_element_type3A_49, %get3A_52, %dot_general3A_53 {dimension_numbers = #tpu.dot_dimension_numbers<[0], [0], [1], [1], [0, 1, 1, 1], [], []>, transpose_lhs_hint = false} : vector<16x8192xf32>, vector<16x128xf32>, vector<8192x128xf32> -> vector<8192x128xf32>
    %get3A_55 = arith.constant 0 : index
    %get3A_56 = arith.constant 0 : index
    %get3A_57 = vector.load %arg10[%get3A_55, %get3A_56] : memref<128x256xf32, #tpu.memory_space<vmem>>, vector<128x128xf32>
    %convert_element_type3A_58 = arith.truncf %max3A_47 : vector<8192x128xf32> to vector<8192x128xbf16>
    %convert_element_type3A_59 = arith.truncf %get3A_57 : vector<128x128xf32> to vector<128x128xbf16>
    %dot_general3A_60 = arith.constant dense<0.000000e+00> : vector<8192x128xf32>
    %dot_general3A_61 = tpu.matmul %convert_element_type3A_58, %convert_element_type3A_59, %dot_general3A_60 {dimension_numbers = #tpu.dot_dimension_numbers<[1], [1], [0], [0], [0, 0, 1, 0], [], []>, transpose_lhs_hint = false} : vector<8192x128xbf16>, vector<128x128xbf16>, vector<8192x128xf32> -> vector<8192x128xf32>
    %add3A_62 = arith.addf %dot_general3A_61, %dot_general3A_54 : vector<8192x128xf32>
    %get3A_63 = arith.constant 0 : index
    %get3A_64 = vector.load %arg11[%get3A_63] : memref<128xf32, #tpu.memory_space<vmem>>, vector<128xf32>
    %broadcast_in_dim3A_65 = vector.shape_cast %get3A_64 : vector<128xf32> to vector<1x128xf32>
    %add3A_66 = vector.broadcast %broadcast_in_dim3A_65 : vector<1x128xf32> to vector<8192x128xf32>
    %add3A_67 = arith.addf %add3A_62, %add3A_66 : vector<8192x128xf32>
    %max3A_68 = arith.constant 0.000000e+00 : f32
    %max3A_69 = vector.broadcast %max3A_68 : f32 to vector<8192x128xf32>
    %max3A_70 = arith.maximumf %add3A_67, %max3A_69 : vector<8192x128xf32>
    %get3A_71 = arith.constant 0 : index
    %get3A_72 = arith.constant 0 : index
    %get3A_73 = vector.load %arg12[%get3A_71, %get3A_72] : memref<128x128xf32, #tpu.memory_space<vmem>>, vector<128x128xf32>
    %convert_element_type3A_74 = arith.truncf %max3A_70 : vector<8192x128xf32> to vector<8192x128xbf16>
    %convert_element_type3A_75 = arith.truncf %get3A_73 : vector<128x128xf32> to vector<128x128xbf16>
    %dot_general3A_76 = arith.constant dense<0.000000e+00> : vector<8192x128xf32>
    %dot_general3A_77 = tpu.matmul %convert_element_type3A_74, %convert_element_type3A_75, %dot_general3A_76 {dimension_numbers = #tpu.dot_dimension_numbers<[1], [1], [0], [0], [0, 0, 1, 0], [], []>, transpose_lhs_hint = false} : vector<8192x128xbf16>, vector<128x128xbf16>, vector<8192x128xf32> -> vector<8192x128xf32>
    %get3A_78 = arith.constant 0 : index
    %get3A_79 = vector.load %arg13[%get3A_78] : memref<128xf32, #tpu.memory_space<vmem>>, vector<128xf32>
    %broadcast_in_dim3A_80 = vector.shape_cast %get3A_79 : vector<128xf32> to vector<1x128xf32>
    %add3A_81 = vector.broadcast %broadcast_in_dim3A_80 : vector<1x128xf32> to vector<8192x128xf32>
    %add3A_82 = arith.addf %dot_general3A_77, %add3A_81 : vector<8192x128xf32>
    %max3A_83 = arith.constant 0.000000e+00 : f32
    %max3A_84 = vector.broadcast %max3A_83 : f32 to vector<8192x128xf32>
    %max3A_85 = arith.maximumf %add3A_82, %max3A_84 : vector<8192x128xf32>
    %get3A_86 = arith.constant 0 : index
    %get3A_87 = arith.constant 0 : index
    %get3A_88 = vector.load %arg14[%get3A_86, %get3A_87] : memref<1x128xf32, #tpu.memory_space<vmem>>, vector<1x128xf32>
    %dot_general3A_89 = arith.constant dense<0.000000e+00> : vector<1x8192xf32>
    %dot_general3A_90 = tpu.matmul %get3A_88, %max3A_85, %dot_general3A_89 {dimension_numbers = #tpu.dot_dimension_numbers<[1], [1], [0], [0], [0, 0, 1, 0], [], []>, transpose_lhs_hint = false} : vector<1x128xf32>, vector<8192x128xf32>, vector<1x8192xf32> -> vector<1x8192xf32>
    %convert_element_type3A_91 = arith.extui %eq3A_15 : vector<16x8192xi1> to vector<16x8192xi32>
    %convert_element_type3A_92 = arith.sitofp %convert_element_type3A_91 : vector<16x8192xi32> to vector<16x8192xf32>
    %jit3A = arith.constant -1.000000e+30 : f32
    %broadcast_in_dim3A_93 = vector.shape_cast %dot_general3A_90 : vector<1x8192xf32> to vector<1x8192xf32>
    %broadcast_in_dim3A_94 = vector.broadcast %broadcast_in_dim3A_93 : vector<1x8192xf32> to vector<16x8192xf32>
    %broadcast_in_dim3A_95 = vector.broadcast %jit3A : f32 to vector<16x8192xf32>
    %select_n3A = arith.select %eq3A_15, %broadcast_in_dim3A_94, %broadcast_in_dim3A_95 : vector<16x8192xi1>, vector<16x8192xf32>
    %reduce_max3A = arith.constant dense<0xFF800000> : vector<16xf32>
    %reduce_max3A_96 = vector.multi_reduction <maximumf>, %select_n3A, %reduce_max3A [1] : vector<16x8192xf32> to vector<16xf32>
    %broadcast_in_dim3A_97 = vector.shape_cast %reduce_max3A_96 : vector<16xf32> to vector<16x1xf32>
    %get3A_98 = arith.constant 0 : index
    %get3A_99 = arith.constant 0 : index
    %get3A_100 = vector.load %arg18[%get3A_98, %get3A_99] : memref<16x1xf32, #tpu.memory_space<vmem>>, vector<16x1xf32>
    %max3A_101 = arith.maximumf %get3A_100, %broadcast_in_dim3A_97 : vector<16x1xf32>
    %sub3A = arith.subf %get3A_100, %max3A_101 : vector<16x1xf32>
    %exp3A = math.exp %sub3A : vector<16x1xf32>
    %dot_general3A_102 = arith.constant dense<0.000000e+00> : vector<1x8192xf32>
    %dot_general3A_103 = tpu.matmul %max3A_101, %convert_element_type3A_92, %dot_general3A_102 {dimension_numbers = #tpu.dot_dimension_numbers<[0], [0], [1], [1], [0, 1, 1, 1], [], []>, transpose_lhs_hint = false} : vector<16x1xf32>, vector<16x8192xf32>, vector<1x8192xf32> -> vector<1x8192xf32>
    %sub3A_104 = arith.subf %dot_general3A_90, %dot_general3A_103 : vector<1x8192xf32>
    %exp3A_105 = math.exp %sub3A_104 : vector<1x8192xf32>
    %mul3A = vector.broadcast %exp3A_105 : vector<1x8192xf32> to vector<16x8192xf32>
    %mul3A_106 = arith.mulf %convert_element_type3A_92, %mul3A : vector<16x8192xf32>
    %swap3A = arith.constant 0 : index
    %swap3A_107 = arith.constant 0 : index
    %swap3A_108 = vector.load %arg18[%swap3A, %swap3A_107] : memref<16x1xf32, #tpu.memory_space<vmem>>, vector<16x1xf32>
    tpu.vector_store %arg18[%swap3A, %swap3A_107], %max3A_101 {strides = array<i32>} : memref<16x1xf32, #tpu.memory_space<vmem>>, vector<16x1xf32>,
    %get3A_109 = arith.constant 0 : index
    %get3A_110 = arith.constant 0 : index
    %get3A_111 = vector.load %arg19[%get3A_109, %get3A_110] : memref<16x1xf32, #tpu.memory_space<vmem>>, vector<16x1xf32>
    %mul3A_112 = arith.mulf %get3A_111, %exp3A : vector<16x1xf32>
    %reduce_sum3A = arith.constant dense<0.000000e+00> : vector<16xf32>
    %reduce_sum3A_113 = vector.multi_reduction <add>, %mul3A_106, %reduce_sum3A [1] : vector<16x8192xf32> to vector<16xf32>
    %broadcast_in_dim3A_114 = vector.shape_cast %reduce_sum3A_113 : vector<16xf32> to vector<16x1xf32>
    %add3A_115 = arith.addf %mul3A_112, %broadcast_in_dim3A_114 : vector<16x1xf32>
    %swap3A_116 = arith.constant 0 : index
    %swap3A_117 = arith.constant 0 : index
    %swap3A_118 = vector.load %arg19[%swap3A_116, %swap3A_117] : memref<16x1xf32, #tpu.memory_space<vmem>>, vector<16x1xf32>
    tpu.vector_store %arg19[%swap3A_116, %swap3A_117], %add3A_115 {strides = array<i32>} : memref<16x1xf32, #tpu.memory_space<vmem>>, vector<16x1xf32>,
    %get3A_119 = arith.constant 0 : index
    %get3A_120 = arith.constant 0 : index
    %get3A_121 = vector.load %arg20[%get3A_119, %get3A_120] : memref<16x128xf32, #tpu.memory_space<vmem>>, vector<16x128xf32>
    %mul3A_122 = vector.broadcast %exp3A : vector<16x1xf32> to vector<16x128xf32>
    %mul3A_123 = arith.mulf %get3A_121, %mul3A_122 : vector<16x128xf32>
    %dot_general3A_124 = arith.constant dense<0.000000e+00> : vector<16x128xf32>
    %dot_general3A_125 = tpu.matmul %mul3A_106, %max3A_47, %dot_general3A_124 {dimension_numbers = #tpu.dot_dimension_numbers<[1], [0], [0], [1], [0, 0, 1, 1], [], []>, transpose_lhs_hint = false} : vector<16x8192xf32>, vector<8192x128xf32>, vector<16x128xf32> -> vector<16x128xf32>
    %add3A_126 = arith.addf %mul3A_123, %dot_general3A_125 : vector<16x128xf32>
    %swap3A_127 = arith.constant 0 : index
    %swap3A_128 = arith.constant 0 : index
    %swap3A_129 = vector.load %arg20[%swap3A_127, %swap3A_128] : memref<16x128xf32, #tpu.memory_space<vmem>>, vector<16x128xf32>
    tpu.vector_store %arg20[%swap3A_127, %swap3A_128], %add3A_126 {strides = array<i32>} : memref<16x128xf32, #tpu.memory_space<vmem>>, vector<16x128xf32>,
    %eq3A_130 = arith.constant 0 : i32
    %eq3A_131 = arith.cmpi eq, %arg0, %eq3A_130 : i32
    %convert_element_type3A_132 = arith.extui %eq3A_131 : i1 to i32
    %cond3A_133 = arith.constant 0 : i32
    %cond3A_134 = arith.cmpi ne, %convert_element_type3A_132, %cond3A_133 : i32
    scf.if %cond3A_134 {
      %get3A_135 = arith.constant 0 : index
      %get3A_136 = arith.constant 0 : index
      %get3A_137 = vector.load %arg18[%get3A_135, %get3A_136] : memref<16x1xf32, #tpu.memory_space<vmem>>, vector<16x1xf32>
      %swap3A_138 = arith.constant 0 : index
      %swap3A_139 = arith.constant 0 : index
      %swap3A_140 = vector.load %arg15[%swap3A_138, %swap3A_139] : memref<16x1xf32, #tpu.memory_space<vmem>>, vector<16x1xf32>
      tpu.vector_store %arg15[%swap3A_138, %swap3A_139], %get3A_137 {strides = array<i32>} : memref<16x1xf32, #tpu.memory_space<vmem>>, vector<16x1xf32>,
      %get3A_141 = arith.constant 0 : index
      %get3A_142 = arith.constant 0 : index
      %get3A_143 = vector.load %arg19[%get3A_141, %get3A_142] : memref<16x1xf32, #tpu.memory_space<vmem>>, vector<16x1xf32>
      %swap3A_144 = arith.constant 0 : index
      %swap3A_145 = arith.constant 0 : index
      %swap3A_146 = vector.load %arg16[%swap3A_144, %swap3A_145] : memref<16x1xf32, #tpu.memory_space<vmem>>, vector<16x1xf32>
      tpu.vector_store %arg16[%swap3A_144, %swap3A_145], %get3A_143 {strides = array<i32>} : memref<16x1xf32, #tpu.memory_space<vmem>>, vector<16x1xf32>,
      %get3A_147 = arith.constant 0 : index
      %get3A_148 = arith.constant 0 : index
      %get3A_149 = vector.load %arg20[%get3A_147, %get3A_148] : memref<16x128xf32, #tpu.memory_space<vmem>>, vector<16x128xf32>
      %swap3A_150 = arith.constant 0 : index
      %swap3A_151 = arith.constant 0 : index
      %swap3A_152 = vector.load %arg17[%swap3A_150, %swap3A_151] : memref<16x128xf32, #tpu.memory_space<vmem>>, vector<16x128xf32>
      tpu.vector_store %arg17[%swap3A_150, %swap3A_151], %get3A_149 {strides = array<i32>} : memref<16x128xf32, #tpu.memory_space<vmem>>, vector<16x128xf32>,
    } else {
    }
    return
  }
  func.func @transform_0(%arg0: i32) -> i32 {
    %add3A = arith.constant 0 : i32
    %add3A_0 = arith.addi %add3A, %arg0 : i32
    %c0_i32 = arith.constant 0 : i32
    return %add3A_0 : i32
  }
  func.func @transform_1(%arg0: i32) -> i32 {
    %add3A = arith.constant 0 : i32
    %add3A_0 = arith.addi %add3A, %arg0 : i32
    %c0_i32 = arith.constant 0 : i32
    return %add3A_0 : i32
  }
  func.func @transform_2(%arg0: i32) -> (i32, i32) {
    %c0_i32 = arith.constant 0 : i32
    %c0_i32_0 = arith.constant 0 : i32
    return %arg0, %c0_i32 : i32, i32
  }
  func.func @transform_3(%arg0: i32) -> (i32, i32) {
    %c0_i32 = arith.constant 0 : i32
    %c0_i32_0 = arith.constant 0 : i32
    %c0_i32_1 = arith.constant 0 : i32
    return %c0_i32, %c0_i32_0 : i32, i32
  }
  func.func @transform_4(%arg0: i32) -> (i32, i32) {
    %c0_i32 = arith.constant 0 : i32
    %c0_i32_0 = arith.constant 0 : i32
    %c0_i32_1 = arith.constant 0 : i32
    return %c0_i32, %c0_i32_0 : i32, i32
  }
  func.func @transform_5(%arg0: i32) -> (i32, i32) {
    %c0_i32 = arith.constant 0 : i32
    %c0_i32_0 = arith.constant 0 : i32
    %c0_i32_1 = arith.constant 0 : i32
    return %c0_i32, %c0_i32_0 : i32, i32
  }
  func.func @transform_6(%arg0: i32) -> i32 {
    %c0_i32 = arith.constant 0 : i32
    %c0_i32_0 = arith.constant 0 : i32
    return %c0_i32 : i32
  }
  func.func @transform_7(%arg0: i32) -> (i32, i32) {
    %c0_i32 = arith.constant 0 : i32
    %c0_i32_0 = arith.constant 0 : i32
    %c0_i32_1 = arith.constant 0 : i32
    return %c0_i32, %c0_i32_0 : i32, i32
  }
  func.func @transform_8(%arg0: i32) -> i32 {
    %c0_i32 = arith.constant 0 : i32
    %c0_i32_0 = arith.constant 0 : i32
    return %c0_i32 : i32
  }
  func.func @transform_9(%arg0: i32) -> (i32, i32) {
    %c0_i32 = arith.constant 0 : i32
    %c0_i32_0 = arith.constant 0 : i32
    %c0_i32_1 = arith.constant 0 : i32
    return %c0_i32, %c0_i32_0 : i32, i32
  }
  func.func @transform_10(%arg0: i32) -> i32 {
    %c0_i32 = arith.constant 0 : i32
    %c0_i32_0 = arith.constant 0 : i32
    return %c0_i32 : i32
  }
  func.func @transform_11(%arg0: i32) -> (i32, i32) {
    %c0_i32 = arith.constant 0 : i32
    %c0_i32_0 = arith.constant 0 : i32
    %c0_i32_1 = arith.constant 0 : i32
    return %c0_i32, %c0_i32_0 : i32, i32
  }
  func.func @transform_12(%arg0: i32) -> i32 {
    %c0_i32 = arith.constant 0 : i32
    %c0_i32_0 = arith.constant 0 : i32
    return %c0_i32 : i32
  }
  func.func @transform_13(%arg0: i32) -> (i32, i32) {
    %c0_i32 = arith.constant 0 : i32
    %c0_i32_0 = arith.constant 0 : i32
    %c0_i32_1 = arith.constant 0 : i32
    return %c0_i32, %c0_i32_0 : i32, i32
  }
  func.func @transform_14(%arg0: i32) -> (i32, i32) {
    %c0_i32 = arith.constant 0 : i32
    %c0_i32_0 = arith.constant 0 : i32
    %c0_i32_1 = arith.constant 0 : i32
    return %c0_i32, %c0_i32_0 : i32, i32
  }
  func.func @transform_15(%arg0: i32) -> (i32, i32) {
    %c0_i32 = arith.constant 0 : i32
    %c0_i32_0 = arith.constant 0 : i32
    %c0_i32_1 = arith.constant 0 : i32
    return %c0_i32, %c0_i32_0 : i32, i32
  }
  func.func @transform_16(%arg0: i32) -> (i32, i32) {
    %c0_i32 = arith.constant 0 : i32
    %c0_i32_0 = arith.constant 0 : i32
    %c0_i32_1 = arith.constant 0 : i32
    return %c0_i32, %c0_i32_0 : i32, i32
  }
}

</mosaic_0001>

<sc_bundles>
// kernel: kernel.6.cloned.1.call-start
scs
__scs_entry_jumppad:
0x0: {  	(pc) =	sbr.rel $0x88, $3  }
0x1: {  	(tag) =	ssettag $0x0;
	lr =	simm.s32 $0x1  }
0x2: {  	[smem:$0x3F91] =	sst lr;
	_ =	strace $0xD0000000  }
0x3: {  	_ = 	snop  }
0x4: {  	_ = 	snop  }
0x5: {  	_ = 	snop  }
0x6: {  	_ = 	snop  }
0x7: {  	_ = 	snop  }
__scs_overlays_trampoline_lowered:
0x8: {  	[smem:$0x3FA0] =	sst s0  }
0x9: {  	[smem:$0x3FA1] =	sst s1  }
0xa: {  	[smem:$0x3FA2] =	sst s2  }
0xb: {  	[smem:$0x3FA3] =	sst s3  }
0xc: {  	[smem:$0x3FA4] =	sst s4  }
0xd: {  	[smem:$0x3FA5] =	sst s5  }
0xe: {  	[smem:$0x3FA6] =	sst s6  }
0xf: {  	[smem:$0x3FA7] =	sst s7  }
0x10: {  	[smem:$0x3FA8] =	sst s8  }
0x11: {  	[smem:$0x3FA9] =	sst s9;
	s0 =	simm.s32 @!p0 $0x0  }
0x12: {  	s1 =	sld [smem:$0x3F8F];
	s0 =	simm.s32 @p0 $0x1  }
0x13: {  	[smem:$0x3FAA] =	sst s0;
	s0 =	simm.s32 @!p1 $0x0  }
0x14: {  	s2 =	sld [smem:$0x3F8E];
	s0 =	simm.s32 @p1 $0x1  }
0x15: {  	[smem:$0x3FAB] =	sst s0;
	s0 =	simm.s32 @!p2 $0x0  }
0x16: {  	s3 =	sld [smem:$0x3FDB];
	s0 =	simm.s32 @p2 $0x1  }
0x17: {  	s4 =	simm.s32 $0x1BF5;
	[smem:$0x3FAD] =	sst s0  }
0x18: {  	s0 =	sld [smem:$0x3F90];
	_ =	swait.ge [sflag:s4], $0x0  }
0x19: {  	s7 =	sld [smem:$0x3F91]  }
0x1a: {  	s8 =	sadd.s32 $0xFFFFE003, lr  }
0x1b: {  	s9 =	sadd.s32 $0xFFFFFEF7, lr;
	s5 =	simm.s32 $0xFFFFFFFF;
	p2 =	slt.u32 s8, $0xFFFFF086  }
0x1c: {  	p1 =	slt.u32 s9, $0xF7A;
	s5 =	simm.s32 @!p2 $0x0  }
0x1d: {  	s5 =	simm.s32 @p1 $0x1;
	p0 =	seq.s32 s7, s2  }
0x1e: {  	s7 =	smul.u32 @!p0 $0xF7A, s2;
	p2 =	seq.s32 @!p0 s5, $0x0  }
0x1f: {  	s9 =	smul.u32 $0xF7A, s1;
	s8 =	simm.s32 @!p0 $0x1BF5;
	p2 =	por !p2, p0  }
0x20: {  	[sflag:s8] =	ssyncset.s32 @!p0 $0xFFFFF086;
	s6 =	sadd.s32 @!p0 s3, s7;
	s7 =	simm.s32 @!p0 $0x108  }
0x21: {  	s3 =	sadd.s32 s3, s9;
	s6 =	sadd.s32 @!p0 $0x88, s6;
	s7 =	simm.s32 @p2 $0x1082  }
0x22: {  	[simem:s7], [sflag:s8] =	dma.local @!p0 [hbm:s6], $0xF7A  }
0x23: {  	s9 =	sor.u32 $0xD0000000, s2;
	s6 =	simm.s32 $0x108;
	_ =	swait.ge @!p0 [sflag:s8], $0x0  }
0x24: {  	s3 =	sadd.s32 $0x88, s3;
	s6 =	simm.s32 @!p1 $0x1082;
	[sflag:s4] =	ssyncset.s32 $0xFFFFF086  }
0x25: {  	[simem:s6], [sflag:s4] =	dma.local [hbm:s3], $0xF7A  }
0x26: {  	[smem:$0x3F91] =	sst s1;
	(tag) =	ssettag s2;
	_ =	strace s9  }
0x27: {  	s1 =	sld [smem:$0x3FA1]  }
0x28: {  	s2 =	sld [smem:$0x3FA2]  }
0x29: {  	s4 =	sld [smem:$0x3FA4]  }
0x2a: {  	p0 =	seq.s32 s5, $0x0;
	s5 =	sld [smem:$0x3FA5]  }
0x2b: {  	s6 =	sld [smem:$0x3FA6]  }
0x2c: {  	s7 =	sld [smem:$0x3FA7]  }
0x2d: {  	s3 =	simm.s32 $0x108;
	s8 =	sld [smem:$0x3FA8]  }
0x2e: {  	s3 =	simm.s32 @!p0 $0x1082;
	s9 =	sld [smem:$0x3FA9]  }
0x2f: {  	lr =	sadd.s32 s0, s3;
	s0 =	sld [smem:$0x3FA0]  }
0x30: {  	s3 =	sld [smem:$0x3FA3]  }
0x31: {  	[smem:$0x3FAC] =	sst s10  }
0x32: {  	s10 =	sld [smem:$0x3FAA];
	_ =	sdelay $0x3  }
0x33: {  	p0 =	seq.s32 s10, $0x1;
	s10 =	sld [smem:$0x3FAC];
	_ =	sdelay $0x3  }
0x34: {  	[smem:$0x3FAC] =	sst s10  }
0x35: {  	s10 =	sld [smem:$0x3FAB];
	_ =	sdelay $0x3  }
0x36: {  	p1 =	seq.s32 s10, $0x1;
	s10 =	sld [smem:$0x3FAC];
	_ =	sdelay $0x3  }
0x37: {  	[smem:$0x3FAC] =	sst s10  }
0x38: {  	s10 =	sld [smem:$0x3FAD]  }
0x39: {  	_ = 	snop;
	(pc) =	sbr.ind lr, $3  }
0x3a: {  	_ = 	snop  }
0x3b: {  	_ = 	snop  }
0x3c: {  	p2 =	seq.s32 s10, $0x1;
	s10 =	sld [smem:$0x3FAC]  }
0x3d: {  	_ =	shalt  }
0x3e: {  	_ =	shalt  }
0x3f: {  	_ =	shalt  }
0x40: {  	_ =	shalt  }
0x41: {  	_ =	shalt  }
0x42: {  	_ =	shalt  }
0x43: {  	_ =	shalt  }
0x44: {  	_ =	shalt  }
0x45: {  	_ =	shalt  }
0x46: {  	_ =	shalt  }
0x47: {  	_ =	shalt  }
0x48: {  	_ =	shalt  }
0x49: {  	_ =	shalt  }
0x4a: {  	_ =	shalt  }
0x4b: {  	_ =	shalt  }
0x4c: {  	_ =	shalt  }
0x4d: {  	_ =	shalt  }
0x4e: {  	_ =	shalt  }
0x4f: {  	_ =	shalt  }
0x50: {  	_ =	shalt  }
0x51: {  	_ =	shalt  }
0x52: {  	_ =	shalt  }
0x53: {  	_ =	shalt  }
0x54: {  	_ =	shalt  }
0x55: {  	_ =	shalt  }
0x56: {  	_ =	shalt  }
0x57: {  	_ =	shalt  }
0x58: {  	_ =	shalt  }
0x59: {  	_ =	shalt  }
0x5a: {  	_ =	shalt  }
0x5b: {  	_ =	shalt  }
0x5c: {  	_ =	shalt  }
0x5d: {  	_ =	shalt  }
0x5e: {  	_ =	shalt  }
0x5f: {  	_ =	shalt  }
0x60: {  	_ =	shalt  }
0x61: {  	_ =	shalt  }
0x62: {  	_ =	shalt  }
0x63: {  	_ =	shalt  }
0x64: {  	_ =	shalt  }
0x65: {  	_ =	shalt  }
0x66: {  	_ =	shalt  }
0x67: {  	_ =	shalt  }
0x68: {  	_ =	shalt  }
0x69: {  	_ =	shalt  }
0x6a: {  	_ =	shalt  }
0x6b: {  	_ =	shalt  }
0x6c: {  	_ =	shalt  }
0x6d: {  	_ =	shalt  }
0x6e: {  	_ =	shalt  }
0x6f: {  	_ =	shalt  }
0x70: {  	_ =	shalt  }
0x71: {  	_ =	shalt  }
0x72: {  	_ =	shalt  }
0x73: {  	_ =	shalt  }
0x74: {  	_ =	shalt  }
0x75: {  	_ =	shalt  }
0x76: {  	_ =	shalt  }
0x77: {  	_ =	shalt  }
0x78: {  	_ =	shalt  }
0x79: {  	_ =	shalt  }
0x7a: {  	_ =	shalt  }
0x7b: {  	_ =	shalt  }
0x7c: {  	_ =	shalt  }
0x7d: {  	_ =	shalt  }
0x7e: {  	_ =	shalt  }
0x7f: {  	_ =	shalt  }
0x80: {  	_ =	shalt  }
0x81: {  	_ =	shalt  }
0x82: {  	_ =	shalt  }
0x83: {  	_ =	shalt  }
0x84: {  	_ =	shalt  }
0x85: {  	_ =	shalt  }
0x86: {  	_ =	shalt  }
0x87: {  	_ =	shalt  }
.Lfunc_end0:
.L_simem_size_0:
called_computation_lowered:
.L_overlay_start_0:
0x88: {  	s2 =	sld [smem:$0x3FD9]  }
0x89: {  	s3 =	sld [smem:$0x3FFE];
	_ =	sdelay $0x1  }
0x8a: {  	s1 =	srdreg.scid  }
0x8b: {  	s0 =	sand.u32 $0x1, s1  }
0x8c: {  	s17 =	sshll.u32 s0, $0xA;
	s2 =	sadd.s32 s3, s2  }
0x8d: {  	s2 =	sadd.s32 s2, s17  }
0x8e: {  	[smem:$0x3FB8] =	sst s2  }
0x8f: {  	_ = 	snop  }
0x90: {  	s2 =	sld [smem:$0x3FC9]  }
0x91: {  	s18 =	sld [smem:$0x3FC8]  }
0x92: {  	s4 =	sld [smem:$0x3FC5]  }
0x93: {  	s5 =	sld [smem:$0x3FC4]  }
0x94: {  	s6 =	sld [smem:$0x3FD0];
	(tm) =	ssettm $0x1  }
0x95: {  	s7 =	sld [smem:$0x3FFB];
	_ =	sdelay $0x3  }
0x96: {  	_ =	strace s7  }
0x97: {  	s7 =	sld [smem:$0x3FFC];
	_ =	sdelay $0x3  }
0x98: {  	_ =	strace s7  }
0x99: {  	s7 =	sld [smem:$0x3FFD];
	_ =	sdelay $0x3  }
0x9a: {  	_ =	strace s7  }
0x9b: {  	_ =	strace $0x8FFFFFFF  }
0x9c: {  	s19 =	sld [smem:$0x3FDB];
	_ =	sdelay $0x1  }
0x9d: {  	s8 =	simm.s32 $_scs_section_size  }
0x9e: {  	s9 =	simm.s32 $_size__tile_overlayer_lowered;
	s10 =	simm.s32 $_tile_overlayer_lowered  }
0x9f: {  	s22 =	simm.s32 $0x1BFF;
	s21 =	sshll.u32 s10, $0x1;
	s7 =	sadd.s32 s8, s19  }
0xa0: {  	s11 =	simm.s32 $0x0;
	s20 =	sshll.u32 s9, $0x1;
	s9 =	sadd.s32 s21, s7  }
0xa1: {  	[timem:s11], [sflag:s22] =	dma.local [hbm:s9], s20  }
0xa2: {  	_ =	swait.ge [sflag:s22], s20  }
0xa3: {  	s8 =	ssub.s32 $0x0, s20;
	[sflag:s22] =	ssyncset.done $0x0  }
0xa4: {  	[sflag:s22] =	ssyncadd.s32 s8;
	_ =	sdelay $0x1  }
0xa5: {  	s23 =	simm.s32 $0x1B8B  }
0xa6: {  	_ =	swait.ge [sflag:s23], $0x1  }
0xa7: {  	[sflag:s23] =	ssyncset.done $0x0  }
0xa8: {  	s25 =	simm.s32 $0x1B8E;
	s24 =	sld [smem:$0x3FFE];
	[sflag:s23] =	ssyncadd.s32 $0xFFFFFFFF  }
0xa9: {  	s26 =	simm.s32 $execute0_lowered;
	[smem:$0x3FD2] =	sst s25  }
0xaa: {  	s9 =	sshll.u32 s26, $0x1;
	_ =	strace $0x80000046;
	[dreg:$0x1] =	wrdreg $0xFFFFFFFF  }
0xab: {  	s28 =	simm.s32 $_size_execute0_lowered;
	s7 =	sadd.s32 s7, s9;
	[dreg:$0x0] =	wrdreg $0x0  }
0xac: {  	s9 =	sshll.u32 s28, $0x1;
	[dreg:$0x2] =	wrdreg s7  }
0xad: {  	[dreg:$0x3] =	wrdreg s9  }
0xae: {  	[dreg:$0x4] =	wrdreg $0xC0  }
0xaf: {  	_ =	task [dreg:s11], $0x5FFFF  }
0xb0: {  	[dreg:$0x1] =	wrdreg $0xFFFFFFFF  }
0xb1: {  	[dreg:$0x0] =	wrdreg $0x60  }
0xb2: {  	[dreg:$0x2] =	wrdreg s18  }
0xb3: {  	[dreg:$0x3] =	wrdreg s2  }
0xb4: {  	[dreg:$0x4] =	wrdreg s4  }
0xb5: {  	[dreg:$0x5] =	wrdreg s5  }
0xb6: {  	[dreg:$0x6] =	wrdreg s24  }
0xb7: {  	[dreg:$0x7] =	wrdreg s6  }
0xb8: {  	[dreg:$0x8] =	wrdreg $0x9  }
0xb9: {  	_ =	task.clear_ibuf [dreg:s11], $0x9FFFF;
	_ =	strace $0x90000046  }
0xba: {  	s29 =	simm.s32 $0x9;
	_ =	strace $0x80000048  }
0xbb: {  	_ =	swait.ge [sflag:s29], $0x1  }
0xbc: {  	[sflag:s29] =	ssyncadd.s32 $0xFFFFFFFF  }
0xbd: {  	_ =	strace $0x90000048  }
0xbe: {  	_ =	sfence  }
0xbf: {  	s30 =	sld [smem:$0x0];
	_ =	sdelay $0x2  }
0xc0: {  	s31 =	sshll.u32 s1, $0xD;
	s1 =	sshrl.u32 s1, $0x2  }
0xc1: {  	s3 =	sand.u32 $0x4000, s31;
	s1 =	sadd.s32 s1, s30  }
0xc2: {  	s0 =	sor.u32 s3, s0;
	s1 =	sshll.u32 s1, $0x11  }
0xc3: {  	s0 =	sor.u32 s1, s0  }
0xc4: {  	s0 =	sadd.s32 $0x8F2B, s0  }
0xc5: {  	[sflag:s0] =	ssyncadd.remote.s32 $0x1  }
0xc6: {  	_ =	sfence.sel $0xFFFF  }
0xc7: {  	[dreg:$0x0] =	wrdreg $0xFFFFFFFF;
	(pc) =	sbr.abs _section_cstart, $3  }
0xc8: {  	[dreg:$0x1] =	wrdreg $0xFFFFFFFF  }
0xc9: {  	_ =	task.clear_ibuf [dreg:s11], $0x2FFFF;
	_ =	strace $0x9FFFFFFF  }
0xca: {  	(tm) =	ssettm $0x7FFFFFFF  }
0xcb: {  	_ =	shalt  }
tec
execute0_lowered:
.L_overlay_start_1:
0x0: {  	(tag) =	ssettag $0x1  }
0x1: {  	s7 =	rddreg [dreg:$0x0]  }
0x2: {  	s2 =	rddreg [dreg:$0x1]  }
0x3: {  	s3 =	rddreg [dreg:$0x2]  }
0x4: {  	s4 =	rddreg [dreg:$0x3]  }
0x5: {  	s13 =	rddreg [dreg:$0x4]  }
0x6: {  	s1 =	srdreg.scid;
	s0 =	stileid.u32  }
0x7: {  	s5 =	rddreg [dreg:$0x5];
	s19 =	sand.u32 $0x1, s1;
	s8 =	sshll.u32 s0, $0x1  }
0x8: {  	s6 =	simm.s32 $0x0;
	s1 =	rddreg [dreg:$0x6];
	s16 =	sor.u32 s19, s8  }
0x9: {  	[smem:$0x7FF] =	sst s6;
	s8 =	sshll.u32 s16, $0x5  }
0xa: {  	_ =	strace $0x80000047;
	s7 =	sadd.s32 s7, s8;
	s8 =	simm.s32 $0x4  }
0xb: {  	[tilespmem:s6], [sflag:$0x4] =	stream.linear.gather [hbm4b:s7+s6], $0x100, $0x38;
	[tilespmem:$0x8980] =	vst v63  }
0xc: {  	_ =	swait.ge [sflag:s8], $0x100  }
0xd: {  	[sflag:s8] =	ssyncset.done $0x0  }
0xe: {  	s9 =	simm.s32 $0x80;
	s10 =	simm.s32 $0x100;
	[sflag:s8] =	ssyncadd.s32 $0xFFFFFF00  }
0xf: {  	[tilespmem:s10], [sflag:$0x1] =	stream.indirect.gather [hbm4b:s3+s9], $0x80, s6, s9, $0xb8;
	[tilespmem:$0x8980] =	vst v63  }
0x10: {  	s11 =	simm.s32 $0x4100;
	s12 =	simm.s32 $0x1  }
0x11: {  	[tilespmem:s11], [sflag:$0x1] =	stream.indirect.gather [hbm4b:s3+s9], $0x80, s9, s9, $0xb8;
	[tilespmem:$0x8980] =	vst v63  }
0x12: {  	s14 =	sshll.u32 s16, $0xC;
	_ =	swait.ge [sflag:s12], $0x4000  }
0x13: {  	s14 =	sadd.s32 s14, s13;
	[sflag:s12] =	ssyncset.done $0x0  }
0x14: {  	s13 =	sadd.s32 $0x2E00, s14;
	[sflag:s12] =	ssyncadd.s32 $0xFFFFC000  }
0x15: {  	[hbm4b:s13+s6] =	stream.linear.scatter [tilespmem:s10], [sflag:$0x2], $0x4000, $0x38;
	[tilespmem:$0x8980] =	vst v63  }
0x16: {  	_ =	swait.ge [sflag:s12], $0x4000  }
0x17: {  	[sflag:s12] =	ssyncset.done $0x0  }
0x18: {  	s15 =	simm.s32 $0x2;
	s14 =	sadd.s32 $0x3600, s14;
	[sflag:s12] =	ssyncadd.s32 $0xFFFFC000  }
0x19: {  	[hbm4b:s14+s6] =	stream.linear.scatter [tilespmem:s11], [sflag:$0x2], $0x4000, $0x38;
	[tilespmem:$0x8980] =	vst v63  }
0x1a: {  	_ =	swait.ge [sflag:s15], $0x4000  }
0x1b: {  	[sflag:s15] =	ssyncset.done $0x0  }
0x1c: {  	[sflag:s15] =	ssyncadd.s32 $0xFFFFC000  }
0x1d: {  	s22 =	ssub.s32 $0x2, s19;
	p0 =	sne.s32 s16, $0x0;
	_ =	swait.ge [sflag:s15], $0x4000  }
0x1e: {  	s23 =	sshrl.u32 s22, $0x1;
	s16 =	simm.s32 @!p0 $0x4;
	[sflag:s15] =	ssyncset.done $0x0  }
0x1f: {  	s17 =	simm.s32 @!p0 $0x0;
	s18 =	simm.s32 @!p0 $0x8100;
	[sflag:s15] =	ssyncadd.s32 $0xFFFFC000  }
0x20: {  	[tilespmem:s18], [sflag:$0x4] =	stream.linear.gather @!p0 [hbm4b:s2+s17], $0x80, $0x38;
	[tilespmem:$0x8980] =	vst v63  }
0x21: {  	s19 =	simm.s32 @!p0 $0x3;
	s22 =	ssub.s32 s22, s23;
	_ =	swait.ge @!p0 [sflag:s16], $0x80  }
0x22: {  	s20 =	simm.s32 @!p0 $0x10;
	s22 =	smax.u32 s22, $0x1;
	[sflag:s16] =	ssyncset.done @!p0 $0x0  }
0x23: {  	s21 =	simm.s32 @!p0 $0x8180;
	s22 =	sadd.s32 $0xFFFFFFFF, s22;
	[sflag:s16] =	ssyncadd.s32 @!p0 $0xFFFFFF80  }
0x24: {  	[tilespmem:s21], [sflag:$0x3] =	stream.indirect.gather @!p0 [hbm4b:s4+s20], $0x80, s18, s20, $0xb8;
	[tilespmem:$0x8980] =	vst v63  }
0x25: {  	p1 =	sne.s32 s22, $0x0;
	_ =	swait.ge @!p0 [sflag:s19], $0x800  }
.Ltmp0:
0x26: {  	[sflag:s19] =	ssyncset.done @!p0 $0x0;
	(pc) =	sbr.rel @!p1 .LBB2_2-.Ltmp0, $4  }
0x27: {  	[sflag:s19] =	ssyncadd.s32 @!p0 $0xFFFFF800  }
0x28: {  	[hbm4b:s5+s17] =	stream.linear.scatter @!p0 [tilespmem:s21], [sflag:$0x4], $0x800, $0x38;
	[tilespmem:$0x8980] =	vst v63  }
0x29: {  	_ =	swait.ge @!p0 [sflag:s16], $0x800  }
0x2a: {  	[sflag:s16] =	ssyncset.done @!p0 $0x0  }
.LBB2_1:
0x2b: {  	s22 =	sadd.s32 $0xFFFFFFFF, s22;
	[sflag:s16] =	ssyncadd.s32 @!p0 $0xFFFFF800  }
0x2c: {  	[tilespmem:s6], [sflag:$0x4] =	stream.linear.gather [hbm4b:s7+s6], $0x100, $0x38;
	[tilespmem:$0x8980] =	vst v63  }
0x2d: {  	p1 =	sne.s32 s22, $0x0;
	_ =	swait.ge [sflag:s8], $0x100  }
0x2e: {  	[sflag:s8] =	ssyncset.done $0x0  }
0x2f: {  	[sflag:s8] =	ssyncadd.s32 $0xFFFFFF00  }
0x30: {  	[tilespmem:s10], [sflag:$0x1] =	stream.indirect.gather [hbm4b:s3+s9], $0x80, s6, s9, $0xb8;
	[tilespmem:$0x8980] =	vst v63  }
0x31: {  	_ = 	snop  }
0x32: {  	[tilespmem:s11], [sflag:$0x1] =	stream.indirect.gather [hbm4b:s3+s9], $0x80, s9, s9, $0xb8;
	[tilespmem:$0x8980] =	vst v63  }
0x33: {  	_ =	swait.ge [sflag:s12], $0x4000  }
0x34: {  	[sflag:s12] =	ssyncset.done $0x0  }
0x35: {  	[sflag:s12] =	ssyncadd.s32 $0xFFFFC000  }
0x36: {  	[hbm4b:s13+s6] =	stream.linear.scatter [tilespmem:s10], [sflag:$0x2], $0x4000, $0x38;
	[tilespmem:$0x8980] =	vst v63  }
0x37: {  	_ =	swait.ge [sflag:s12], $0x4000  }
0x38: {  	[sflag:s12] =	ssyncset.done $0x0  }
0x39: {  	[sflag:s12] =	ssyncadd.s32 $0xFFFFC000  }
0x3a: {  	[hbm4b:s14+s6] =	stream.linear.scatter [tilespmem:s11], [sflag:$0x2], $0x4000, $0x38;
	[tilespmem:$0x8980] =	vst v63  }
0x3b: {  	_ =	swait.ge [sflag:s15], $0x4000  }
0x3c: {  	[sflag:s15] =	ssyncset.done $0x0  }
0x3d: {  	[sflag:s15] =	ssyncadd.s32 $0xFFFFC000  }
0x3e: {  	_ =	swait.ge [sflag:s15], $0x4000  }
0x3f: {  	[sflag:s15] =	ssyncset.done $0x0  }
0x40: {  	[sflag:s15] =	ssyncadd.s32 $0xFFFFC000  }
0x41: {  	[tilespmem:s18], [sflag:$0x4] =	stream.linear.gather @!p0 [hbm4b:s2+s17], $0x80, $0x38;
	[tilespmem:$0x8980] =	vst v63  }
0x42: {  	_ =	swait.ge @!p0 [sflag:s16], $0x80  }
0x43: {  	[sflag:s16] =	ssyncset.done @!p0 $0x0  }
0x44: {  	[sflag:s16] =	ssyncadd.s32 @!p0 $0xFFFFFF80  }
0x45: {  	[tilespmem:s21], [sflag:$0x3] =	stream.indirect.gather @!p0 [hbm4b:s4+s20], $0x80, s18, s20, $0xb8;
	[tilespmem:$0x8980] =	vst v63  }
0x46: {  	_ =	swait.ge @!p0 [sflag:s19], $0x800  }
.Ltmp1:
0x47: {  	[sflag:s19] =	ssyncset.done @!p0 $0x0;
	(pc) =	sbr.rel @p1 .LBB2_1-.Ltmp1, $4  }
0x48: {  	[sflag:s19] =	ssyncadd.s32 @!p0 $0xFFFFF800  }
0x49: {  	[hbm4b:s5+s17] =	stream.linear.scatter @!p0 [tilespmem:s21], [sflag:$0x4], $0x800, $0x38;
	[tilespmem:$0x8980] =	vst v63  }
0x4a: {  	_ =	swait.ge @!p0 [sflag:s16], $0x800  }
0x4b: {  	[sflag:s16] =	ssyncset.done @!p0 $0x0  }
.LBB2_2:
0x4c: {  	[sflag:s16] =	ssyncadd.s32 @!p0 $0xFFFFF800  }
0x4d: {  	_ =	sfence.sel $0x180000  }
0x4e: {  	[bflag:$0x0] =	sbarrier.arrive $0xFFFF  }
0x4f: {  	p0 =	sne.s32 s0, $0x0;
	_ =	strace $0x90000047  }
0x50: {  	s0 =	sadd.s32 @!p0 $0x100000, s1;
	[bflag:$0x2] =	sbarrier.arrive $0xFFFF  }
0x51: {  	[sflag:s0] =	ssyncadd.tile.s32 @!p0 $0x1;
	_ =	shalt  }
.Lfunc_end2:
_tile_overlayer_lowered:
.L_overlay_start_2:
0x52: {  	(tag) =	ssettag $0x2  }
0x53: {  	s0 =	rddreg [dreg:$0x0];
	s2 =	stileid.u32  }
0x54: {  	s1 =	rddreg [dreg:$0x1];
	p0 =	sne.s32 s2, $0x0  }
0x55: {  	s3 =	rddreg [dreg:$0x2];
	[bflag:$0x3] =	sbarrier.arrive $0xFFFF;
	s2 =	simm.s32 @!p0 $0x1C04  }
0x56: {  	[timem:s3], [sflag:s2] =	dma.local @!p0 [hbm:s0], s1  }
0x57: {  	s0 =	simm.s32 @!p0 $0x4  }
0x58: {  	_ =	swait.ge @!p0 [sflag:s0], s1  }
0x59: {  	s1 =	ssub.s32 @!p0 $0x0, s1;
	[sflag:s0] =	ssyncset.done @!p0 $0x0  }
0x5a: {  	[sflag:s0] =	ssyncadd.s32 @!p0 s1  }
0x5b: {  	[bflag:$0x3] =	sbarrier.arrive $0xFFFF  }
0x5c: {  	_ =	shalt  }

// kernel: kernel.9.cloned.1.call-start
scs
__scs_entry_jumppad:
0x0: {  	(pc) =	sbr.rel $0x88, $3  }
0x1: {  	(tag) =	ssettag $0x0;
	lr =	simm.s32 $0x1  }
0x2: {  	[smem:$0x3F91] =	sst lr;
	_ =	strace $0xD0000000  }
0x3: {  	_ = 	snop  }
0x4: {  	_ = 	snop  }
0x5: {  	_ = 	snop  }
0x6: {  	_ = 	snop  }
0x7: {  	_ = 	snop  }
__scs_overlays_trampoline_lowered:
0x8: {  	[smem:$0x3FA0] =	sst s0  }
0x9: {  	[smem:$0x3FA1] =	sst s1  }
0xa: {  	[smem:$0x3FA2] =	sst s2  }
0xb: {  	[smem:$0x3FA3] =	sst s3  }
0xc: {  	[smem:$0x3FA4] =	sst s4  }
0xd: {  	[smem:$0x3FA5] =	sst s5  }
0xe: {  	[smem:$0x3FA6] =	sst s6  }
0xf: {  	[smem:$0x3FA7] =	sst s7  }
0x10: {  	[smem:$0x3FA8] =	sst s8  }
0x11: {  	[smem:$0x3FA9] =	sst s9;
	s0 =	simm.s32 @!p0 $0x0  }
0x12: {  	s1 =	sld [smem:$0x3F8F];
	s0 =	simm.s32 @p0 $0x1  }
0x13: {  	[smem:$0x3FAA] =	sst s0;
	s0 =	simm.s32 @!p1 $0x0  }
0x14: {  	s2 =	sld [smem:$0x3F8E];
	s0 =	simm.s32 @p1 $0x1  }
0x15: {  	[smem:$0x3FAB] =	sst s0;
	s0 =	simm.s32 @!p2 $0x0  }
0x16: {  	s3 =	sld [smem:$0x3FDB];
	s0 =	simm.s32 @p2 $0x1  }
0x17: {  	s4 =	simm.s32 $0x1BF5;
	[smem:$0x3FAD] =	sst s0  }
0x18: {  	s0 =	sld [smem:$0x3F90];
	_ =	swait.ge [sflag:s4], $0x0  }
0x19: {  	s7 =	sld [smem:$0x3F91]  }
0x1a: {  	s8 =	sadd.s32 $0xFFFFE003, lr  }
0x1b: {  	s9 =	sadd.s32 $0xFFFFFEF7, lr;
	s5 =	simm.s32 $0xFFFFFFFF;
	p2 =	slt.u32 s8, $0xFFFFF086  }
0x1c: {  	p1 =	slt.u32 s9, $0xF7A;
	s5 =	simm.s32 @!p2 $0x0  }
0x1d: {  	s5 =	simm.s32 @p1 $0x1;
	p0 =	seq.s32 s7, s2  }
0x1e: {  	s7 =	smul.u32 @!p0 $0xF7A, s2;
	p2 =	seq.s32 @!p0 s5, $0x0  }
0x1f: {  	s9 =	smul.u32 $0xF7A, s1;
	s8 =	simm.s32 @!p0 $0x1BF5;
	p2 =	por !p2, p0  }
0x20: {  	[sflag:s8] =	ssyncset.s32 @!p0 $0xFFFFF086;
	s6 =	sadd.s32 @!p0 s3, s7;
	s7 =	simm.s32 @!p0 $0x108  }
0x21: {  	s3 =	sadd.s32 s3, s9;
	s6 =	sadd.s32 @!p0 $0x88, s6;
	s7 =	simm.s32 @p2 $0x1082  }
0x22: {  	[simem:s7], [sflag:s8] =	dma.local @!p0 [hbm:s6], $0xF7A  }
0x23: {  	s9 =	sor.u32 $0xD0000000, s2;
	s6 =	simm.s32 $0x108;
	_ =	swait.ge @!p0 [sflag:s8], $0x0  }
0x24: {  	s3 =	sadd.s32 $0x88, s3;
	s6 =	simm.s32 @!p1 $0x1082;
	[sflag:s4] =	ssyncset.s32 $0xFFFFF086  }
0x25: {  	[simem:s6], [sflag:s4] =	dma.local [hbm:s3], $0xF7A  }
0x26: {  	[smem:$0x3F91] =	sst s1;
	(tag) =	ssettag s2;
	_ =	strace s9  }
0x27: {  	s1 =	sld [smem:$0x3FA1]  }
0x28: {  	s2 =	sld [smem:$0x3FA2]  }
0x29: {  	s4 =	sld [smem:$0x3FA4]  }
0x2a: {  	p0 =	seq.s32 s5, $0x0;
	s5 =	sld [smem:$0x3FA5]  }
0x2b: {  	s6 =	sld [smem:$0x3FA6]  }
0x2c: {  	s7 =	sld [smem:$0x3FA7]  }
0x2d: {  	s3 =	simm.s32 $0x108;
	s8 =	sld [smem:$0x3FA8]  }
0x2e: {  	s3 =	simm.s32 @!p0 $0x1082;
	s9 =	sld [smem:$0x3FA9]  }
0x2f: {  	lr =	sadd.s32 s0, s3;
	s0 =	sld [smem:$0x3FA0]  }
0x30: {  	s3 =	sld [smem:$0x3FA3]  }
0x31: {  	[smem:$0x3FAC] =	sst s10  }
0x32: {  	s10 =	sld [smem:$0x3FAA];
	_ =	sdelay $0x3  }
0x33: {  	p0 =	seq.s32 s10, $0x1;
	s10 =	sld [smem:$0x3FAC];
	_ =	sdelay $0x3  }
0x34: {  	[smem:$0x3FAC] =	sst s10  }
0x35: {  	s10 =	sld [smem:$0x3FAB];
	_ =	sdelay $0x3  }
0x36: {  	p1 =	seq.s32 s10, $0x1;
	s10 =	sld [smem:$0x3FAC];
	_ =	sdelay $0x3  }
0x37: {  	[smem:$0x3FAC] =	sst s10  }
0x38: {  	s10 =	sld [smem:$0x3FAD]  }
0x39: {  	_ = 	snop;
	(pc) =	sbr.ind lr, $3  }
0x3a: {  	_ = 	snop  }
0x3b: {  	_ = 	snop  }
0x3c: {  	p2 =	seq.s32 s10, $0x1;
	s10 =	sld [smem:$0x3FAC]  }
0x3d: {  	_ =	shalt  }
0x3e: {  	_ =	shalt  }
0x3f: {  	_ =	shalt  }
0x40: {  	_ =	shalt  }
0x41: {  	_ =	shalt  }
0x42: {  	_ =	shalt  }
0x43: {  	_ =	shalt  }
0x44: {  	_ =	shalt  }
0x45: {  	_ =	shalt  }
0x46: {  	_ =	shalt  }
0x47: {  	_ =	shalt  }
0x48: {  	_ =	shalt  }
0x49: {  	_ =	shalt  }
0x4a: {  	_ =	shalt  }
0x4b: {  	_ =	shalt  }
0x4c: {  	_ =	shalt  }
0x4d: {  	_ =	shalt  }
0x4e: {  	_ =	shalt  }
0x4f: {  	_ =	shalt  }
0x50: {  	_ =	shalt  }
0x51: {  	_ =	shalt  }
0x52: {  	_ =	shalt  }
0x53: {  	_ =	shalt  }
0x54: {  	_ =	shalt  }
0x55: {  	_ =	shalt  }
0x56: {  	_ =	shalt  }
0x57: {  	_ =	shalt  }
0x58: {  	_ =	shalt  }
0x59: {  	_ =	shalt  }
0x5a: {  	_ =	shalt  }
0x5b: {  	_ =	shalt  }
0x5c: {  	_ =	shalt  }
0x5d: {  	_ =	shalt  }
0x5e: {  	_ =	shalt  }
0x5f: {  	_ =	shalt  }
0x60: {  	_ =	shalt  }
0x61: {  	_ =	shalt  }
0x62: {  	_ =	shalt  }
0x63: {  	_ =	shalt  }
0x64: {  	_ =	shalt  }
0x65: {  	_ =	shalt  }
0x66: {  	_ =	shalt  }
0x67: {  	_ =	shalt  }
0x68: {  	_ =	shalt  }
0x69: {  	_ =	shalt  }
0x6a: {  	_ =	shalt  }
0x6b: {  	_ =	shalt  }
0x6c: {  	_ =	shalt  }
0x6d: {  	_ =	shalt  }
0x6e: {  	_ =	shalt  }
0x6f: {  	_ =	shalt  }
0x70: {  	_ =	shalt  }
0x71: {  	_ =	shalt  }
0x72: {  	_ =	shalt  }
0x73: {  	_ =	shalt  }
0x74: {  	_ =	shalt  }
0x75: {  	_ =	shalt  }
0x76: {  	_ =	shalt  }
0x77: {  	_ =	shalt  }
0x78: {  	_ =	shalt  }
0x79: {  	_ =	shalt  }
0x7a: {  	_ =	shalt  }
0x7b: {  	_ =	shalt  }
0x7c: {  	_ =	shalt  }
0x7d: {  	_ =	shalt  }
0x7e: {  	_ =	shalt  }
0x7f: {  	_ =	shalt  }
0x80: {  	_ =	shalt  }
0x81: {  	_ =	shalt  }
0x82: {  	_ =	shalt  }
0x83: {  	_ =	shalt  }
0x84: {  	_ =	shalt  }
0x85: {  	_ =	shalt  }
0x86: {  	_ =	shalt  }
0x87: {  	_ =	shalt  }
.Lfunc_end0:
.L_simem_size_0:
called_computation.1_lowered:
.L_overlay_start_0:
0x88: {  	s2 =	sld [smem:$0x3FD9]  }
0x89: {  	s3 =	sld [smem:$0x3FFE];
	_ =	sdelay $0x1  }
0x8a: {  	s1 =	srdreg.scid  }
0x8b: {  	s0 =	sand.u32 $0x1, s1  }
0x8c: {  	s17 =	sshll.u32 s0, $0xA;
	s2 =	sadd.s32 s3, s2  }
0x8d: {  	s2 =	sadd.s32 s2, s17  }
0x8e: {  	[smem:$0x3FB8] =	sst s2  }
0x8f: {  	_ = 	snop  }
0x90: {  	s18 =	sld [smem:$0x3FC8]  }
0x91: {  	s4 =	sld [smem:$0x3FC5];
	(tm) =	ssettm $0x1  }
0x92: {  	s19 =	sld [smem:$0x3FFB];
	_ =	sdelay $0x3  }
0x93: {  	_ =	strace s19  }
0x94: {  	s2 =	sld [smem:$0x3FFC];
	_ =	sdelay $0x3  }
0x95: {  	_ =	strace s2  }
0x96: {  	s2 =	sld [smem:$0x3FFD];
	_ =	sdelay $0x3  }
0x97: {  	_ =	strace s2  }
0x98: {  	_ =	strace $0x8FFFFFFF  }
0x99: {  	s20 =	sld [smem:$0x3FDB];
	_ =	sdelay $0x1  }
0x9a: {  	s5 =	simm.s32 $_scs_section_size  }
0x9b: {  	s6 =	simm.s32 $_size__tile_overlayer_lowered;
	s7 =	simm.s32 $_tile_overlayer_lowered  }
0x9c: {  	s8 =	simm.s32 $0x1BFF;
	s21 =	sshll.u32 s7, $0x1;
	s5 =	sadd.s32 s5, s20  }
0x9d: {  	s22 =	simm.s32 $0x0;
	s6 =	sshll.u32 s6, $0x1;
	s7 =	sadd.s32 s21, s5  }
0x9e: {  	[timem:s22], [sflag:s8] =	dma.local [hbm:s7], s6  }
0x9f: {  	_ =	swait.ge [sflag:s8], s6  }
0xa0: {  	s6 =	ssub.s32 $0x0, s6;
	[sflag:s8] =	ssyncset.done $0x0  }
0xa1: {  	[sflag:s8] =	ssyncadd.s32 s6;
	_ =	sdelay $0x1  }
0xa2: {  	s23 =	simm.s32 $0x1B8B  }
0xa3: {  	_ =	swait.ge [sflag:s23], $0x1  }
0xa4: {  	[sflag:s23] =	ssyncset.done $0x0  }
0xa5: {  	[sflag:s23] =	ssyncadd.s32 $0xFFFFFFFF  }
0xa6: {  	s6 =	sld [smem:$0x0]  }
0xa7: {  	s7 =	sand.u32 $0xFFFFFFFE, s1  }
0xa8: {  	p0 =	sne.s32 s1, s7  }
0xa9: {  	s7 =	sshll.u32 @p0 s7, $0xE  }
0xaa: {  	s7 =	sadd.s32 @p0 $0x11B8D, s7;
	s8 =	sshll.u32 @p0 s6, $0x11  }
0xab: {  	s7 =	sor.u32 @p0 s8, s7  }
0xac: {  	[sflag:s7] =	ssyncadd.remote.s32 @p0 $0x1;
	_ =	sdelay $0x1  }
0xad: {  	s7 =	simm.s32 @p0 $0x1B8D  }
0xae: {  	_ =	swait.eq @p0 [sflag:s7], $0x1  }
0xaf: {  	[sflag:s7] =	ssyncadd.s32 @p0 $0xFFFFFFFF  }
0xb0: {  	s8 =	sshll.u32 @!p0 s1, $0xE  }
0xb1: {  	s8 =	sor.u32 @!p0 $0x4000, s8;
	s7 =	simm.s32 @!p0 $0x1B8D  }
0xb2: {  	s6 =	sshll.u32 @!p0 s6, $0x11;
	s8 =	sadd.s32 @!p0 $0x11B8D, s8;
	_ =	swait.eq @!p0 [sflag:s7], $0x1  }
0xb3: {  	s6 =	sor.u32 @!p0 s6, s8;
	[sflag:s7] =	ssyncadd.s32 @!p0 $0xFFFFFFFF  }
0xb4: {  	s25 =	simm.s32 $0x1B8E;
	s24 =	sld [smem:$0x3FFE];
	[sflag:s6] =	ssyncadd.remote.s32 @!p0 $0x1  }
0xb5: {  	s26 =	simm.s32 $execute0_lowered;
	[smem:$0x3FD2] =	sst s25  }
0xb6: {  	s7 =	sshll.u32 s26, $0x1;
	_ =	strace $0x80000049;
	[dreg:$0x1] =	wrdreg $0xFFFFFFFF  }
0xb7: {  	s28 =	simm.s32 $_size_execute0_lowered;
	s5 =	sadd.s32 s5, s7;
	[dreg:$0x0] =	wrdreg $0x0  }
0xb8: {  	s7 =	sshll.u32 s28, $0x1;
	[dreg:$0x2] =	wrdreg s5  }
0xb9: {  	[dreg:$0x3] =	wrdreg s7  }
0xba: {  	[dreg:$0x4] =	wrdreg $0xC0  }
0xbb: {  	_ =	task [dreg:s22], $0x5FFFF  }
0xbc: {  	[dreg:$0x1] =	wrdreg $0xFFFFFFFF  }
0xbd: {  	[dreg:$0x0] =	wrdreg $0x60  }
0xbe: {  	[dreg:$0x2] =	wrdreg s18  }
0xbf: {  	[dreg:$0x3] =	wrdreg s4  }
0xc0: {  	[dreg:$0x4] =	wrdreg s24  }
0xc1: {  	[dreg:$0x5] =	wrdreg $0xA  }
0xc2: {  	_ =	task.clear_ibuf [dreg:s22], $0x6FFFF;
	_ =	strace $0x90000049  }
0xc3: {  	s29 =	simm.s32 $0xA;
	_ =	strace $0x8000004B  }
0xc4: {  	_ =	swait.ge [sflag:s29], $0x1  }
0xc5: {  	[sflag:s29] =	ssyncadd.s32 $0xFFFFFFFF  }
0xc6: {  	_ =	strace $0x9000004B  }
0xc7: {  	_ =	sfence  }
0xc8: {  	s30 =	sld [smem:$0x0];
	_ =	sdelay $0x2  }
0xc9: {  	s31 =	sshll.u32 s1, $0xD;
	s1 =	sshrl.u32 s1, $0x2  }
0xca: {  	s4 =	sand.u32 $0x4000, s31;
	s1 =	sadd.s32 s1, s30  }
0xcb: {  	s0 =	sor.u32 s4, s0;
	s1 =	sshll.u32 s1, $0x11  }
0xcc: {  	s0 =	sor.u32 s1, s0  }
0xcd: {  	s0 =	sadd.s32 $0x8F2B, s0  }
0xce: {  	[sflag:s0] =	ssyncadd.remote.s32 $0x1  }
0xcf: {  	_ =	sfence.sel $0xFFFF  }
0xd0: {  	[dreg:$0x0] =	wrdreg $0xFFFFFFFF;
	(pc) =	sbr.abs _section_cstart, $3  }
0xd1: {  	[dreg:$0x1] =	wrdreg $0xFFFFFFFF  }
0xd2: {  	_ =	task.clear_ibuf [dreg:s22], $0x2FFFF;
	_ =	strace $0x9FFFFFFF  }
0xd3: {  	(tm) =	ssettm $0x7FFFFFFF  }
tec
execute0_lowered:
.L_overlay_start_1:
0x0: {  	(tag) =	ssettag $0x1  }
0x1: {  	s1 =	srdreg.scid  }
0x2: {  	s4 =	rddreg [dreg:$0x0];
	s0 =	stileid.u32;
	s11 =	sand.u32 $0x1, s1  }
0x3: {  	s2 =	rddreg [dreg:$0x1];
	s31 =	sshll.u32 s0, $0x9;
	s3 =	sshll.u32 s11, $0x8  }
0x4: {  	s10 =	rddreg [dreg:$0x2];
	s12 =	sor.u32 s3, s31  }
0x5: {  	s1 =	rddreg [dreg:$0x3];
	s3 =	simm.s32 $0x0;
	s5 =	sshrl.u32 s12, $0x3  }
0x6: {  	[smem:$0x7FF] =	sst s3;
	s4 =	sadd.s32 s5, s4  }
0x7: {  	_ =	strace $0x8000004A;
	s5 =	simm.s32 $0x3;
	s4 =	sadd.s32 $0x400, s4  }
0x8: {  	[tilespmem:s3], [sflag:$0x3] =	stream.linear.gather [hbm4b:s4+s3], $0x100, $0x38;
	[tilespmem:$0x8100] =	vst v63  }
0x9: {  	_ =	swait.ge [sflag:s5], $0x100  }
0xa: {  	[sflag:s5] =	ssyncset.done $0x0  }
0xb: {  	s6 =	simm.s32 $0x80;
	s7 =	simm.s32 $0x100;
	[sflag:s5] =	ssyncadd.s32 $0xFFFFFF00  }
0xc: {  	[tilespmem:s7], [sflag:$0x1] =	stream.indirect.gather [hbm4b:s2+s6], $0x80, s3, s6, $0xb8;
	[tilespmem:$0x8100] =	vst v63  }
0xd: {  	s8 =	simm.s32 $0x4100;
	s9 =	simm.s32 $0x1  }
0xe: {  	[tilespmem:s8], [sflag:$0x1] =	stream.indirect.gather [hbm4b:s2+s6], $0x80, s6, s6, $0xb8;
	[tilespmem:$0x8100] =	vst v63  }
0xf: {  	s12 =	sshll.u32 s12, $0x4;
	_ =	swait.ge [sflag:s9], $0x4000  }
0x10: {  	s13 =	ssub.s32 $0x2, s11;
	s12 =	sadd.s32 s12, s10;
	[sflag:s9] =	ssyncset.done $0x0  }
0x11: {  	s14 =	sshrl.u32 s13, $0x1;
	s10 =	sadd.s32 $0x22E00, s12;
	[sflag:s9] =	ssyncadd.s32 $0xFFFFC000  }
0x12: {  	[hbm4b:s10+s3] =	stream.linear.scatter [tilespmem:s7], [sflag:$0x2], $0x4000, $0x38;
	[tilespmem:$0x8100] =	vst v63  }
0x13: {  	s13 =	ssub.s32 s13, s14;
	_ =	swait.ge [sflag:s9], $0x4000  }
0x14: {  	s11 =	simm.s32 $0x2;
	s13 =	smax.u32 s13, $0x1;
	[sflag:s9] =	ssyncset.done $0x0  }
0x15: {  	s12 =	sadd.s32 $0x23600, s12;
	p0 =	sne.s32 s13, $0x1;
	[sflag:s9] =	ssyncadd.s32 $0xFFFFC000  }
0x16: {  	[hbm4b:s12+s3] =	stream.linear.scatter [tilespmem:s8], [sflag:$0x2], $0x4000, $0x38;
	[tilespmem:$0x8100] =	vst v63  }
.Ltmp0:
0x17: {  	_ =	swait.ge [sflag:s11], $0x4000;
	(pc) =	sbr.rel @!p0 .LBB2_2-.Ltmp0, $4  }
0x18: {  	[sflag:s11] =	ssyncset.done $0x0  }
0x19: {  	[sflag:s11] =	ssyncadd.s32 $0xFFFFC000  }
0x1a: {  	_ =	swait.ge [sflag:s11], $0x4000  }
0x1b: {  	s13 =	sadd.s32 $0xFFFFFFFF, s13;
	[sflag:s11] =	ssyncset.done $0x0  }
.LBB2_1:
0x1c: {  	p0 =	sne.s32 s13, $0x1;
	s13 =	sadd.s32 $0xFFFFFFFF, s13;
	[sflag:s11] =	ssyncadd.s32 $0xFFFFC000  }
0x1d: {  	[tilespmem:s3], [sflag:$0x3] =	stream.linear.gather [hbm4b:s4+s3], $0x100, $0x38;
	[tilespmem:$0x8100] =	vst v63  }
0x1e: {  	_ =	swait.ge [sflag:s5], $0x100  }
0x1f: {  	[sflag:s5] =	ssyncset.done $0x0  }
0x20: {  	[sflag:s5] =	ssyncadd.s32 $0xFFFFFF00  }
0x21: {  	[tilespmem:s7], [sflag:$0x1] =	stream.indirect.gather [hbm4b:s2+s6], $0x80, s3, s6, $0xb8;
	[tilespmem:$0x8100] =	vst v63  }
0x22: {  	_ = 	snop  }
0x23: {  	[tilespmem:s8], [sflag:$0x1] =	stream.indirect.gather [hbm4b:s2+s6], $0x80, s6, s6, $0xb8;
	[tilespmem:$0x8100] =	vst v63  }
0x24: {  	_ =	swait.ge [sflag:s9], $0x4000  }
0x25: {  	[sflag:s9] =	ssyncset.done $0x0  }
0x26: {  	[sflag:s9] =	ssyncadd.s32 $0xFFFFC000  }
0x27: {  	[hbm4b:s10+s3] =	stream.linear.scatter [tilespmem:s7], [sflag:$0x2], $0x4000, $0x38;
	[tilespmem:$0x8100] =	vst v63  }
0x28: {  	_ =	swait.ge [sflag:s9], $0x4000  }
0x29: {  	[sflag:s9] =	ssyncset.done $0x0  }
0x2a: {  	[sflag:s9] =	ssyncadd.s32 $0xFFFFC000  }
0x2b: {  	[hbm4b:s12+s3] =	stream.linear.scatter [tilespmem:s8], [sflag:$0x2], $0x4000, $0x38;
	[tilespmem:$0x8100] =	vst v63  }
.Ltmp1:
0x2c: {  	_ =	swait.ge [sflag:s11], $0x4000;
	(pc) =	sbr.rel @p0 .LBB2_1-.Ltmp1, $4  }
0x2d: {  	[sflag:s11] =	ssyncset.done $0x0  }
0x2e: {  	[sflag:s11] =	ssyncadd.s32 $0xFFFFC000  }
0x2f: {  	_ =	swait.ge [sflag:s11], $0x4000  }
0x30: {  	[sflag:s11] =	ssyncset.done $0x0  }
.LBB2_2:
0x31: {  	[sflag:s11] =	ssyncadd.s32 $0xFFFFC000  }
0x32: {  	_ =	sfence.sel $0x180000  }
0x33: {  	[bflag:$0x0] =	sbarrier.arrive $0xFFFF  }
0x34: {  	p0 =	sne.s32 s0, $0x0;
	_ =	strace $0x9000004A  }
0x35: {  	s0 =	sadd.s32 @!p0 $0x100000, s1;
	[bflag:$0x2] =	sbarrier.arrive $0xFFFF  }
0x36: {  	[sflag:s0] =	ssyncadd.tile.s32 @!p0 $0x1;
	_ =	shalt  }
.Lfunc_end2:
_tile_overlayer_lowered:
.L_overlay_start_2:
0x37: {  	(tag) =	ssettag $0x2  }
0x38: {  	s0 =	rddreg [dreg:$0x0];
	s2 =	stileid.u32  }
0x39: {  	s1 =	rddreg [dreg:$0x1];
	p0 =	sne.s32 s2, $0x0  }
0x3a: {  	s3 =	rddreg [dreg:$0x2];
	[bflag:$0x3] =	sbarrier.arrive $0xFFFF;
	s2 =	simm.s32 @!p0 $0x1C03  }
0x3b: {  	[timem:s3], [sflag:s2] =	dma.local @!p0 [hbm:s0], s1  }
0x3c: {  	s0 =	simm.s32 @!p0 $0x3  }
0x3d: {  	_ =	swait.ge @!p0 [sflag:s0], s1  }
0x3e: {  	s1 =	ssub.s32 @!p0 $0x0, s1;
	[sflag:s0] =	ssyncset.done @!p0 $0x0  }
0x3f: {  	[sflag:s0] =	ssyncadd.s32 @!p0 s1  }
0x40: {  	[bflag:$0x3] =	sbarrier.arrive $0xFFFF  }
0x41: {  	_ =	shalt  }

</sc_bundles>
